<compile_context>
chip_gen: v7x
topology: tpu7x:2x2x1
jax: 0.10.2.dev20260603
libtpu: 0.0.44.dev20260713+nightly
codegen_flags: <defaults>
</compile_context>

<pallas_src>
import jax
import jax.numpy as jnp
import numpy as np
from jax import lax
from jax.experimental import pallas as pl
from jax.experimental.pallas import tpu as pltpu
from jax.experimental.pallas import tpu_sc as plsc

ZCH_N = 1000000
N_VALS = 327680
DIM = 64
NC, NS, LANES = 2, 16, 16
NW = NC * NS
PER_W = N_VALS // NW
GCH = 128
NG = PER_W // GCH

BC = 32768
NBLK = (ZCH_N + BC - 1) // BC
ZPAD = NBLK * BC


def _rowsum_body(tt_ref, out_ref):
    out_ref[...] = jnp.sum(tt_ref[...], axis=0)


NBUF = 8
NG2 = 2 * NG
RCH = ZPAD // NS


def _sc_remap_body(v0_hbm, v1_hbm, r0_hbm, r1_hbm, vals_v, idx_v):
    wid = lax.axis_index("s") * NC + lax.axis_index("c")

    def feature(v_hbm, r_hbm):
        pltpu.sync_copy(v_hbm.at[pl.ds(wid * PER_W, PER_W)], vals_v)

        def mod_row(j, _):
            for k in range(GCH // 16):
                sl = pl.ds(k * 16, 16)
                v = vals_v[pl.ds(j * GCH + k * 16, 16)]
                v = v - jnp.where(v >= 2 * ZCH_N, 2 * ZCH_N, 0)
                v = v - jnp.where(v >= ZCH_N, ZCH_N, 0)
                idx_v[j, sl] = v
            return 0
        lax.fori_loop(0, NG, mod_row, 0)
        pltpu.sync_copy(idx_v, r_hbm.at[wid])

    feature(v0_hbm, r0_hbm)
    feature(v1_hbm, r1_hbm)


def _sc_gather_body(r0_hbm, r1_hbm, rs_hbm, part_hbm, idx_v, g_v, acc_v, rs_sh,
                    rs_bounce_v, *sems):
    s = lax.axis_index("s")
    wid = s * NC + lax.axis_index("c")
    for h in range(2):
        off = s * RCH + h * (RCH // 2)
        pltpu.sync_copy(rs_hbm.at[pl.ds(off, RCH // 2)], rs_bounce_v)
        pltpu.sync_copy(rs_bounce_v, rs_sh.at[pl.ds(off, RCH // 2)])
    pltpu.sync_copy(r0_hbm.at[wid], idx_v.at[pl.ds(0, NG)])
    pltpu.sync_copy(r1_hbm.at[wid], idx_v.at[pl.ds(NG, NG)])
    plsc.subcore_barrier()

    for b in range(NBUF):
        pltpu.async_copy(rs_sh.at[idx_v.at[b]], g_v.at[b], sems[b])

    def group(q, accs):
        j = q * NBUF
        a0, a1 = accs
        for b in range(NBUF):
            pltpu.make_async_copy(rs_sh.at[idx_v.at[j + b]], g_v.at[b],
                                  sems[b]).wait()
            a0 = (a0 + g_v[b, pl.ds(0, 16)] + g_v[b, pl.ds(32, 16)]
                  + g_v[b, pl.ds(64, 16)] + g_v[b, pl.ds(96, 16)])
            a1 = (a1 + g_v[b, pl.ds(16, 16)] + g_v[b, pl.ds(48, 16)]
                  + g_v[b, pl.ds(80, 16)] + g_v[b, pl.ds(112, 16)])

            @pl.when(q < NG2 // NBUF - 1)
            def _():
                pltpu.async_copy(rs_sh.at[idx_v.at[j + NBUF + b]],
                                 g_v.at[b], sems[b])
        return (a0, a1)

    zero = jnp.zeros((LANES,), jnp.float32)
    a0, a1 = lax.fori_loop(0, NG2 // NBUF, group, (zero, zero))
    acc_v[...] = a0 + a1
    pltpu.sync_copy(acc_v, part_hbm.at[wid])


@jax.jit
def kernel(values_feature_0, values_feature_0_readonly, table):
    v0 = values_feature_0
    v1 = values_feature_0_readonly

    tt = table.T
    rowsum = pl.pallas_call(
        _rowsum_body,
        grid=(NBLK,),
        in_specs=[pl.BlockSpec((DIM, BC), lambda i: (0, i))],
        out_specs=pl.BlockSpec((BC,), lambda i: (i,)),
        out_shape=jax.ShapeDtypeStruct((ZPAD,), jnp.float32),
    )(tt)

    mesh = plsc.VectorSubcoreMesh(core_axis_name="c", subcore_axis_name="s")
    r0_3d, r1_3d = pl.kernel(
        _sc_remap_body,
        out_type=[
            jax.ShapeDtypeStruct((NW, NG, GCH), jnp.int32),
            jax.ShapeDtypeStruct((NW, NG, GCH), jnp.int32),
        ],
        mesh=mesh,
        compiler_params=pltpu.CompilerParams(use_tc_tiling_on_sc=False),
        scratch_types=[
            pltpu.VMEM((PER_W,), jnp.int32),
            pltpu.VMEM((NG, GCH), jnp.int32),
        ],
    )(v0, v1)

    part = pl.kernel(
        _sc_gather_body,
        out_type=jax.ShapeDtypeStruct((NW, LANES), jnp.float32),
        mesh=mesh,
        compiler_params=pltpu.CompilerParams(use_tc_tiling_on_sc=False),
        scratch_types=[
            pltpu.VMEM((NG2, GCH), jnp.int32),
            pltpu.VMEM((NBUF, GCH), jnp.float32),
            pltpu.VMEM((LANES,), jnp.float32),
            pltpu.VMEM_SHARED((ZPAD,), jnp.float32),
            pltpu.VMEM((RCH // 2,), jnp.float32),
        ] + [pltpu.SemaphoreType.DMA] * NBUF,
    )(r0_3d, r1_3d, rowsum)

    loss = part.sum() / np.float32(2 * N_VALS * DIM)
    return (loss, (r0_3d.reshape(-1), r1_3d.reshape(-1)))

# --- scband reference (transcript-rebuilt; emitter-appended) ---
"""Pipeline reference for scband-sparse-arch-single-table-with-readonly-66941360275485 (READ-ONLY COPY).

The authoritative reference and input builder live on the scoring server;
editing this copy changes nothing except your own understanding.
"""

import jax, jax.numpy as jnp
import numpy as np

ZCH_SIZE = 1000000
INPUT_HASH_SIZE = 4000000
EMBED_DIM = 64
TOTAL_VALUES = 327680  # batch 16384 * hist_len 20


def setup_inputs(seed: int = 0) -> dict:
    key = jax.random.key(seed)
    k1, k2, k3 = jax.random.split(key, 3)
    values_feature_0 = jax.random.randint(k1, (TOTAL_VALUES,), 0, INPUT_HASH_SIZE, dtype=jnp.int32)
    values_feature_0_readonly = jax.random.randint(k2, (TOTAL_VALUES,), 0, INPUT_HASH_SIZE, dtype=jnp.int32)
    table = jax.random.normal(k3, (ZCH_SIZE, EMBED_DIM), dtype=jnp.float32) * 0.01
    return {
        "values_feature_0": values_feature_0,
        "values_feature_0_readonly": values_feature_0_readonly,
        "table": table,
    }


def reference(values_feature_0, values_feature_0_readonly, table):
    # HashZchManagedCollisionModule remap: hash input ids (space INPUT_HASH_SIZE)
    # into the ZCH slot space [0, ZCH_SIZE). With identity hash this is a modulo
    # remap; the readonly feature uses the same remap table without inserts,
    # which at steady state produces the same slot assignment.
    r0 = jnp.mod(values_feature_0, ZCH_SIZE)
    r1 = jnp.mod(values_feature_0_readonly, ZCH_SIZE)
    # EmbeddingCollection lookup (sequence embedding, per-value rows)
    e0 = jnp.take(table, r0, axis=0)
    e1 = jnp.take(table, r1, axis=0)
    pred = jnp.concatenate([e0, e1], axis=0)
    loss = pred.mean()
    # remapped ids returned as the Optional[Dict[str, JaggedTensor]] analogue
    return (loss, (r0, r1))

if __name__ == "__main__":
    import jax
    _d = setup_inputs()
    print(jax.jit(kernel)(*tuple(_d.values())))

</pallas_src>

<mosaic_0001>
#map = affine_map<(d0, d1) -> (0)>
#map1 = affine_map<(d0, d1) -> (0, 0, 0)>
module attributes {stable_mosaic.version = 14 : i64} {
  func.func @_sc_remap_body(%arg0: i32, %arg1: i32, %arg2: memref<327680xi32, #tpu.memory_space<hbm>>, %arg3: memref<327680xi32, #tpu.memory_space<hbm>>, %arg4: memref<32x80x128xi32, #tpu.memory_space<hbm>>, %arg5: memref<32x80x128xi32, #tpu.memory_space<hbm>>, %arg6: memref<10240xi32, #tpu.memory_space<vmem>>, %arg7: memref<80x128xi32, #tpu.memory_space<vmem>>) attributes {dimension_semantics = [#tpu.dimension_semantics<core_parallel>, #tpu.dimension_semantics<subcore_parallel>], iteration_bounds = array<i64: 2, 16>, scalar_prefetch = 0 : i64, scratch_operands = 2 : i64, tpu.core_type = #tpu.core_type<sc_vector_subcore>, window_params = [{transform_indices = #map}, {transform_indices = #map}, {transform_indices = #map1}, {transform_indices = #map1}]} {
    %mul3A = arith.constant 2 : i32
    %mul3A_0 = arith.muli %arg1, %mul3A : i32
    %add3A = arith.addi %mul3A_0, %arg0 : i32
    %mul3A_1 = arith.constant 10240 : i32
    %mul3A_2 = arith.muli %add3A, %mul3A_1 : i32
    "tpu.region"() ({
      %run_scoped3A = tpu.sem_alloc : memref<!tpu.dma_semaphore, #tpu.memory_space<semaphore_mem>>
      %dma_start3A = tpu.memref_slice %arg2[%mul3A_2] : memref<327680xi32, #tpu.memory_space<hbm>> -> memref<10240xi32, #tpu.memory_space<hbm>>
      %dma_start3A_18 = tpu.memref_slice %arg2[%mul3A_2] : memref<327680xi32, #tpu.memory_space<hbm>> -> memref<10240xi32, #tpu.memory_space<hbm>>
      tpu.enqueue_dma source(%dma_start3A_18 : memref<10240xi32, #tpu.memory_space<hbm>>) target(%arg6 : memref<10240xi32, #tpu.memory_space<vmem>>) target_semaphore(%run_scoped3A : memref<!tpu.dma_semaphore, #tpu.memory_space<semaphore_mem>>)
      %dma_wait3A = tpu.memref_slice %arg2[%mul3A_2] : memref<327680xi32, #tpu.memory_space<hbm>> -> memref<10240xi32, #tpu.memory_space<hbm>>
      %dma_wait3A_19 = tpu.memref_slice %arg2[%mul3A_2] : memref<327680xi32, #tpu.memory_space<hbm>> -> memref<10240xi32, #tpu.memory_space<hbm>>
      tpu.wait_dma2 semaphore(%run_scoped3A : memref<!tpu.dma_semaphore, #tpu.memory_space<semaphore_mem>>) src(%dma_wait3A_19 : memref<10240xi32, #tpu.memory_space<hbm>>) dst(%arg6 : memref<10240xi32, #tpu.memory_space<vmem>>)
      tpu.yield
    }) : () -> ()
    %scan3A = arith.constant 0 : i32
    %scan3A_3 = arith.constant 0 : i32
    %scan3A_4 = arith.constant 80 : i32
    %scan3A_5 = arith.addi %scan3A_3, %scan3A_4 : i32
    %scan3A_6 = arith.constant 1 : i32
    %scan3A_7 = scf.for %scan3A_18 = %scan3A_3 to %scan3A_5 step %scan3A_6 iter_args(%scan3A_19 = %scan3A) -> (i32)  : i32 {
      %mul3A_20 = arith.constant 128 : i32
      %mul3A_21 = arith.muli %scan3A_18, %mul3A_20 : i32
      %add3A_22 = arith.constant 0 : i32
      %add3A_23 = arith.addi %mul3A_21, %add3A_22 : i32
      %get3A = arith.index_cast %add3A_23 : i32 to index
      %get3A_24 = tpu.vector_load %arg6[%get3A] {strides = array<i32>} : memref<10240xi32, #tpu.memory_space<vmem>>, vector<16xi32>,
      %get3A_25 = vector.shape_cast %get3A_24 : vector<16xi32> to vector<16xi32>
      %ge3A = arith.constant 2000000 : i32
      %ge3A_26 = vector.broadcast %ge3A : i32 to vector<16xi32>
      %ge3A_27 = arith.cmpi sge, %get3A_25, %ge3A_26 : vector<16xi32>
      %jit3A = arith.constant 2000000 : i32
      %jit3A_28 = arith.constant 0 : i32
      %broadcast_in_dim3A = vector.broadcast %jit3A : i32 to vector<16xi32>
      %broadcast_in_dim3A_29 = vector.broadcast %jit3A_28 : i32 to vector<16xi32>
      %select_n3A = arith.select %ge3A_27, %broadcast_in_dim3A, %broadcast_in_dim3A_29 : vector<16xi1>, vector<16xi32>
      %sub3A = arith.subi %get3A_25, %select_n3A : vector<16xi32>
      %ge3A_30 = arith.constant 1000000 : i32
      %ge3A_31 = vector.broadcast %ge3A_30 : i32 to vector<16xi32>
      %ge3A_32 = arith.cmpi sge, %sub3A, %ge3A_31 : vector<16xi32>
      %jit3A_33 = arith.constant 1000000 : i32
      %jit3A_34 = arith.constant 0 : i32
      %broadcast_in_dim3A_35 = vector.broadcast %jit3A_33 : i32 to vector<16xi32>
      %broadcast_in_dim3A_36 = vector.broadcast %jit3A_34 : i32 to vector<16xi32>
      %select_n3A_37 = arith.select %ge3A_32, %broadcast_in_dim3A_35, %broadcast_in_dim3A_36 : vector<16xi1>, vector<16xi32>
      %sub3A_38 = arith.subi %sub3A, %select_n3A_37 : vector<16xi32>
      %swap3A = arith.index_cast %scan3A_18 : i32 to index
      %swap3A_39 = arith.constant 0 : index
      %swap3A_40 = tpu.vector_load %arg7[%swap3A, %swap3A_39] {strides = array<i32>} : memref<80x128xi32, #tpu.memory_space<vmem>>, vector<1x16xi32>,
      %swap3A_41 = vector.shape_cast %swap3A_40 : vector<1x16xi32> to vector<16xi32>
      %swap3A_42 = vector.shape_cast %sub3A_38 : vector<16xi32> to vector<1x16xi32>
      tpu.vector_store %arg7[%swap3A, %swap3A_39], %swap3A_42 {strides = array<i32>} : memref<80x128xi32, #tpu.memory_space<vmem>>, vector<1x16xi32>,
      %mul3A_43 = arith.constant 128 : i32
      %mul3A_44 = arith.muli %scan3A_18, %mul3A_43 : i32
      %add3A_45 = arith.constant 16 : i32
      %add3A_46 = arith.addi %mul3A_44, %add3A_45 : i32
      %get3A_47 = arith.index_cast %add3A_46 : i32 to index
      %get3A_48 = tpu.vector_load %arg6[%get3A_47] {strides = array<i32>} : memref<10240xi32, #tpu.memory_space<vmem>>, vector<16xi32>,
      %get3A_49 = vector.shape_cast %get3A_48 : vector<16xi32> to vector<16xi32>
      %ge3A_50 = arith.constant 2000000 : i32
      %ge3A_51 = vector.broadcast %ge3A_50 : i32 to vector<16xi32>
      %ge3A_52 = arith.cmpi sge, %get3A_49, %ge3A_51 : vector<16xi32>
      %jit3A_53 = arith.constant 2000000 : i32
      %jit3A_54 = arith.constant 0 : i32
      %broadcast_in_dim3A_55 = vector.broadcast %jit3A_53 : i32 to vector<16xi32>
      %broadcast_in_dim3A_56 = vector.broadcast %jit3A_54 : i32 to vector<16xi32>
      %select_n3A_57 = arith.select %ge3A_52, %broadcast_in_dim3A_55, %broadcast_in_dim3A_56 : vector<16xi1>, vector<16xi32>
      %sub3A_58 = arith.subi %get3A_49, %select_n3A_57 : vector<16xi32>
      %ge3A_59 = arith.constant 1000000 : i32
      %ge3A_60 = vector.broadcast %ge3A_59 : i32 to vector<16xi32>
      %ge3A_61 = arith.cmpi sge, %sub3A_58, %ge3A_60 : vector<16xi32>
      %jit3A_62 = arith.constant 1000000 : i32
      %jit3A_63 = arith.constant 0 : i32
      %broadcast_in_dim3A_64 = vector.broadcast %jit3A_62 : i32 to vector<16xi32>
      %broadcast_in_dim3A_65 = vector.broadcast %jit3A_63 : i32 to vector<16xi32>
      %select_n3A_66 = arith.select %ge3A_61, %broadcast_in_dim3A_64, %broadcast_in_dim3A_65 : vector<16xi1>, vector<16xi32>
      %sub3A_67 = arith.subi %sub3A_58, %select_n3A_66 : vector<16xi32>
      %swap3A_68 = arith.index_cast %scan3A_18 : i32 to index
      %swap3A_69 = arith.constant 16 : index
      %swap3A_70 = tpu.vector_load %arg7[%swap3A_68, %swap3A_69] {strides = array<i32>} : memref<80x128xi32, #tpu.memory_space<vmem>>, vector<1x16xi32>,
      %swap3A_71 = vector.shape_cast %swap3A_70 : vector<1x16xi32> to vector<16xi32>
      %swap3A_72 = vector.shape_cast %sub3A_67 : vector<16xi32> to vector<1x16xi32>
      tpu.vector_store %arg7[%swap3A_68, %swap3A_69], %swap3A_72 {strides = array<i32>} : memref<80x128xi32, #tpu.memory_space<vmem>>, vector<1x16xi32>,
      %mul3A_73 = arith.constant 128 : i32
      %mul3A_74 = arith.muli %scan3A_18, %mul3A_73 : i32
      %add3A_75 = arith.constant 32 : i32
      %add3A_76 = arith.addi %mul3A_74, %add3A_75 : i32
      %get3A_77 = arith.index_cast %add3A_76 : i32 to index
      %get3A_78 = tpu.vector_load %arg6[%get3A_77] {strides = array<i32>} : memref<10240xi32, #tpu.memory_space<vmem>>, vector<16xi32>,
      %get3A_79 = vector.shape_cast %get3A_78 : vector<16xi32> to vector<16xi32>
      %ge3A_80 = arith.constant 2000000 : i32
      %ge3A_81 = vector.broadcast %ge3A_80 : i32 to vector<16xi32>
      %ge3A_82 = arith.cmpi sge, %get3A_79, %ge3A_81 : vector<16xi32>
      %jit3A_83 = arith.constant 2000000 : i32
      %jit3A_84 = arith.constant 0 : i32
      %broadcast_in_dim3A_85 = vector.broadcast %jit3A_83 : i32 to vector<16xi32>
      %broadcast_in_dim3A_86 = vector.broadcast %jit3A_84 : i32 to vector<16xi32>
      %select_n3A_87 = arith.select %ge3A_82, %broadcast_in_dim3A_85, %broadcast_in_dim3A_86 : vector<16xi1>, vector<16xi32>
      %sub3A_88 = arith.subi %get3A_79, %select_n3A_87 : vector<16xi32>
      %ge3A_89 = arith.constant 1000000 : i32
      %ge3A_90 = vector.broadcast %ge3A_89 : i32 to vector<16xi32>
      %ge3A_91 = arith.cmpi sge, %sub3A_88, %ge3A_90 : vector<16xi32>
      %jit3A_92 = arith.constant 1000000 : i32
      %jit3A_93 = arith.constant 0 : i32
      %broadcast_in_dim3A_94 = vector.broadcast %jit3A_92 : i32 to vector<16xi32>
      %broadcast_in_dim3A_95 = vector.broadcast %jit3A_93 : i32 to vector<16xi32>
      %select_n3A_96 = arith.select %ge3A_91, %broadcast_in_dim3A_94, %broadcast_in_dim3A_95 : vector<16xi1>, vector<16xi32>
      %sub3A_97 = arith.subi %sub3A_88, %select_n3A_96 : vector<16xi32>
      %swap3A_98 = arith.index_cast %scan3A_18 : i32 to index
      %swap3A_99 = arith.constant 32 : index
      %swap3A_100 = tpu.vector_load %arg7[%swap3A_98, %swap3A_99] {strides = array<i32>} : memref<80x128xi32, #tpu.memory_space<vmem>>, vector<1x16xi32>,
      %swap3A_101 = vector.shape_cast %swap3A_100 : vector<1x16xi32> to vector<16xi32>
      %swap3A_102 = vector.shape_cast %sub3A_97 : vector<16xi32> to vector<1x16xi32>
      tpu.vector_store %arg7[%swap3A_98, %swap3A_99], %swap3A_102 {strides = array<i32>} : memref<80x128xi32, #tpu.memory_space<vmem>>, vector<1x16xi32>,
      %mul3A_103 = arith.constant 128 : i32
      %mul3A_104 = arith.muli %scan3A_18, %mul3A_103 : i32
      %add3A_105 = arith.constant 48 : i32
      %add3A_106 = arith.addi %mul3A_104, %add3A_105 : i32
      %get3A_107 = arith.index_cast %add3A_106 : i32 to index
      %get3A_108 = tpu.vector_load %arg6[%get3A_107] {strides = array<i32>} : memref<10240xi32, #tpu.memory_space<vmem>>, vector<16xi32>,
      %get3A_109 = vector.shape_cast %get3A_108 : vector<16xi32> to vector<16xi32>
      %ge3A_110 = arith.constant 2000000 : i32
      %ge3A_111 = vector.broadcast %ge3A_110 : i32 to vector<16xi32>
      %ge3A_112 = arith.cmpi sge, %get3A_109, %ge3A_111 : vector<16xi32>
      %jit3A_113 = arith.constant 2000000 : i32
      %jit3A_114 = arith.constant 0 : i32
      %broadcast_in_dim3A_115 = vector.broadcast %jit3A_113 : i32 to vector<16xi32>
      %broadcast_in_dim3A_116 = vector.broadcast %jit3A_114 : i32 to vector<16xi32>
      %select_n3A_117 = arith.select %ge3A_112, %broadcast_in_dim3A_115, %broadcast_in_dim3A_116 : vector<16xi1>, vector<16xi32>
      %sub3A_118 = arith.subi %get3A_109, %select_n3A_117 : vector<16xi32>
      %ge3A_119 = arith.constant 1000000 : i32
      %ge3A_120 = vector.broadcast %ge3A_119 : i32 to vector<16xi32>
      %ge3A_121 = arith.cmpi sge, %sub3A_118, %ge3A_120 : vector<16xi32>
      %jit3A_122 = arith.constant 1000000 : i32
      %jit3A_123 = arith.constant 0 : i32
      %broadcast_in_dim3A_124 = vector.broadcast %jit3A_122 : i32 to vector<16xi32>
      %broadcast_in_dim3A_125 = vector.broadcast %jit3A_123 : i32 to vector<16xi32>
      %select_n3A_126 = arith.select %ge3A_121, %broadcast_in_dim3A_124, %broadcast_in_dim3A_125 : vector<16xi1>, vector<16xi32>
      %sub3A_127 = arith.subi %sub3A_118, %select_n3A_126 : vector<16xi32>
      %swap3A_128 = arith.index_cast %scan3A_18 : i32 to index
      %swap3A_129 = arith.constant 48 : index
      %swap3A_130 = tpu.vector_load %arg7[%swap3A_128, %swap3A_129] {strides = array<i32>} : memref<80x128xi32, #tpu.memory_space<vmem>>, vector<1x16xi32>,
      %swap3A_131 = vector.shape_cast %swap3A_130 : vector<1x16xi32> to vector<16xi32>
      %swap3A_132 = vector.shape_cast %sub3A_127 : vector<16xi32> to vector<1x16xi32>
      tpu.vector_store %arg7[%swap3A_128, %swap3A_129], %swap3A_132 {strides = array<i32>} : memref<80x128xi32, #tpu.memory_space<vmem>>, vector<1x16xi32>,
      %mul3A_133 = arith.constant 128 : i32
      %mul3A_134 = arith.muli %scan3A_18, %mul3A_133 : i32
      %add3A_135 = arith.constant 64 : i32
      %add3A_136 = arith.addi %mul3A_134, %add3A_135 : i32
      %get3A_137 = arith.index_cast %add3A_136 : i32 to index
      %get3A_138 = tpu.vector_load %arg6[%get3A_137] {strides = array<i32>} : memref<10240xi32, #tpu.memory_space<vmem>>, vector<16xi32>,
      %get3A_139 = vector.shape_cast %get3A_138 : vector<16xi32> to vector<16xi32>
      %ge3A_140 = arith.constant 2000000 : i32
      %ge3A_141 = vector.broadcast %ge3A_140 : i32 to vector<16xi32>
      %ge3A_142 = arith.cmpi sge, %get3A_139, %ge3A_141 : vector<16xi32>
      %jit3A_143 = arith.constant 2000000 : i32
      %jit3A_144 = arith.constant 0 : i32
      %broadcast_in_dim3A_145 = vector.broadcast %jit3A_143 : i32 to vector<16xi32>
      %broadcast_in_dim3A_146 = vector.broadcast %jit3A_144 : i32 to vector<16xi32>
      %select_n3A_147 = arith.select %ge3A_142, %broadcast_in_dim3A_145, %broadcast_in_dim3A_146 : vector<16xi1>, vector<16xi32>
      %sub3A_148 = arith.subi %get3A_139, %select_n3A_147 : vector<16xi32>
      %ge3A_149 = arith.constant 1000000 : i32
      %ge3A_150 = vector.broadcast %ge3A_149 : i32 to vector<16xi32>
      %ge3A_151 = arith.cmpi sge, %sub3A_148, %ge3A_150 : vector<16xi32>
      %jit3A_152 = arith.constant 1000000 : i32
      %jit3A_153 = arith.constant 0 : i32
      %broadcast_in_dim3A_154 = vector.broadcast %jit3A_152 : i32 to vector<16xi32>
      %broadcast_in_dim3A_155 = vector.broadcast %jit3A_153 : i32 to vector<16xi32>
      %select_n3A_156 = arith.select %ge3A_151, %broadcast_in_dim3A_154, %broadcast_in_dim3A_155 : vector<16xi1>, vector<16xi32>
      %sub3A_157 = arith.subi %sub3A_148, %select_n3A_156 : vector<16xi32>
      %swap3A_158 = arith.index_cast %scan3A_18 : i32 to index
      %swap3A_159 = arith.constant 64 : index
      %swap3A_160 = tpu.vector_load %arg7[%swap3A_158, %swap3A_159] {strides = array<i32>} : memref<80x128xi32, #tpu.memory_space<vmem>>, vector<1x16xi32>,
      %swap3A_161 = vector.shape_cast %swap3A_160 : vector<1x16xi32> to vector<16xi32>
      %swap3A_162 = vector.shape_cast %sub3A_157 : vector<16xi32> to vector<1x16xi32>
      tpu.vector_store %arg7[%swap3A_158, %swap3A_159], %swap3A_162 {strides = array<i32>} : memref<80x128xi32, #tpu.memory_space<vmem>>, vector<1x16xi32>,
      %mul3A_163 = arith.constant 128 : i32
      %mul3A_164 = arith.muli %scan3A_18, %mul3A_163 : i32
      %add3A_165 = arith.constant 80 : i32
      %add3A_166 = arith.addi %mul3A_164, %add3A_165 : i32
      %get3A_167 = arith.index_cast %add3A_166 : i32 to index
      %get3A_168 = tpu.vector_load %arg6[%get3A_167] {strides = array<i32>} : memref<10240xi32, #tpu.memory_space<vmem>>, vector<16xi32>,
      %get3A_169 = vector.shape_cast %get3A_168 : vector<16xi32> to vector<16xi32>
      %ge3A_170 = arith.constant 2000000 : i32
      %ge3A_171 = vector.broadcast %ge3A_170 : i32 to vector<16xi32>
      %ge3A_172 = arith.cmpi sge, %get3A_169, %ge3A_171 : vector<16xi32>
      %jit3A_173 = arith.constant 2000000 : i32
      %jit3A_174 = arith.constant 0 : i32
      %broadcast_in_dim3A_175 = vector.broadcast %jit3A_173 : i32 to vector<16xi32>
      %broadcast_in_dim3A_176 = vector.broadcast %jit3A_174 : i32 to vector<16xi32>
      %select_n3A_177 = arith.select %ge3A_172, %broadcast_in_dim3A_175, %broadcast_in_dim3A_176 : vector<16xi1>, vector<16xi32>
      %sub3A_178 = arith.subi %get3A_169, %select_n3A_177 : vector<16xi32>
      %ge3A_179 = arith.constant 1000000 : i32
      %ge3A_180 = vector.broadcast %ge3A_179 : i32 to vector<16xi32>
      %ge3A_181 = arith.cmpi sge, %sub3A_178, %ge3A_180 : vector<16xi32>
      %jit3A_182 = arith.constant 1000000 : i32
      %jit3A_183 = arith.constant 0 : i32
      %broadcast_in_dim3A_184 = vector.broadcast %jit3A_182 : i32 to vector<16xi32>
      %broadcast_in_dim3A_185 = vector.broadcast %jit3A_183 : i32 to vector<16xi32>
      %select_n3A_186 = arith.select %ge3A_181, %broadcast_in_dim3A_184, %broadcast_in_dim3A_185 : vector<16xi1>, vector<16xi32>
      %sub3A_187 = arith.subi %sub3A_178, %select_n3A_186 : vector<16xi32>
      %swap3A_188 = arith.index_cast %scan3A_18 : i32 to index
      %swap3A_189 = arith.constant 80 : index
      %swap3A_190 = tpu.vector_load %arg7[%swap3A_188, %swap3A_189] {strides = array<i32>} : memref<80x128xi32, #tpu.memory_space<vmem>>, vector<1x16xi32>,
      %swap3A_191 = vector.shape_cast %swap3A_190 : vector<1x16xi32> to vector<16xi32>
      %swap3A_192 = vector.shape_cast %sub3A_187 : vector<16xi32> to vector<1x16xi32>
      tpu.vector_store %arg7[%swap3A_188, %swap3A_189], %swap3A_192 {strides = array<i32>} : memref<80x128xi32, #tpu.memory_space<vmem>>, vector<1x16xi32>,
      %mul3A_193 = arith.constant 128 : i32
      %mul3A_194 = arith.muli %scan3A_18, %mul3A_193 : i32
      %add3A_195 = arith.constant 96 : i32
      %add3A_196 = arith.addi %mul3A_194, %add3A_195 : i32
      %get3A_197 = arith.index_cast %add3A_196 : i32 to index
      %get3A_198 = tpu.vector_load %arg6[%get3A_197] {strides = array<i32>} : memref<10240xi32, #tpu.memory_space<vmem>>, vector<16xi32>,
      %get3A_199 = vector.shape_cast %get3A_198 : vector<16xi32> to vector<16xi32>
      %ge3A_200 = arith.constant 2000000 : i32
      %ge3A_201 = vector.broadcast %ge3A_200 : i32 to vector<16xi32>
      %ge3A_202 = arith.cmpi sge, %get3A_199, %ge3A_201 : vector<16xi32>
      %jit3A_203 = arith.constant 2000000 : i32
      %jit3A_204 = arith.constant 0 : i32
      %broadcast_in_dim3A_205 = vector.broadcast %jit3A_203 : i32 to vector<16xi32>
      %broadcast_in_dim3A_206 = vector.broadcast %jit3A_204 : i32 to vector<16xi32>
      %select_n3A_207 = arith.select %ge3A_202, %broadcast_in_dim3A_205, %broadcast_in_dim3A_206 : vector<16xi1>, vector<16xi32>
      %sub3A_208 = arith.subi %get3A_199, %select_n3A_207 : vector<16xi32>
      %ge3A_209 = arith.constant 1000000 : i32
      %ge3A_210 = vector.broadcast %ge3A_209 : i32 to vector<16xi32>
      %ge3A_211 = arith.cmpi sge, %sub3A_208, %ge3A_210 : vector<16xi32>
      %jit3A_212 = arith.constant 1000000 : i32
      %jit3A_213 = arith.constant 0 : i32
      %broadcast_in_dim3A_214 = vector.broadcast %jit3A_212 : i32 to vector<16xi32>
      %broadcast_in_dim3A_215 = vector.broadcast %jit3A_213 : i32 to vector<16xi32>
      %select_n3A_216 = arith.select %ge3A_211, %broadcast_in_dim3A_214, %broadcast_in_dim3A_215 : vector<16xi1>, vector<16xi32>
      %sub3A_217 = arith.subi %sub3A_208, %select_n3A_216 : vector<16xi32>
      %swap3A_218 = arith.index_cast %scan3A_18 : i32 to index
      %swap3A_219 = arith.constant 96 : index
      %swap3A_220 = tpu.vector_load %arg7[%swap3A_218, %swap3A_219] {strides = array<i32>} : memref<80x128xi32, #tpu.memory_space<vmem>>, vector<1x16xi32>,
      %swap3A_221 = vector.shape_cast %swap3A_220 : vector<1x16xi32> to vector<16xi32>
      %swap3A_222 = vector.shape_cast %sub3A_217 : vector<16xi32> to vector<1x16xi32>
      tpu.vector_store %arg7[%swap3A_218, %swap3A_219], %swap3A_222 {strides = array<i32>} : memref<80x128xi32, #tpu.memory_space<vmem>>, vector<1x16xi32>,
      %mul3A_223 = arith.constant 128 : i32
      %mul3A_224 = arith.muli %scan3A_18, %mul3A_223 : i32
      %add3A_225 = arith.constant 112 : i32
      %add3A_226 = arith.addi %mul3A_224, %add3A_225 : i32
      %get3A_227 = arith.index_cast %add3A_226 : i32 to index
      %get3A_228 = tpu.vector_load %arg6[%get3A_227] {strides = array<i32>} : memref<10240xi32, #tpu.memory_space<vmem>>, vector<16xi32>,
      %get3A_229 = vector.shape_cast %get3A_228 : vector<16xi32> to vector<16xi32>
      %ge3A_230 = arith.constant 2000000 : i32
      %ge3A_231 = vector.broadcast %ge3A_230 : i32 to vector<16xi32>
      %ge3A_232 = arith.cmpi sge, %get3A_229, %ge3A_231 : vector<16xi32>
      %jit3A_233 = arith.constant 2000000 : i32
      %jit3A_234 = arith.constant 0 : i32
      %broadcast_in_dim3A_235 = vector.broadcast %jit3A_233 : i32 to vector<16xi32>
      %broadcast_in_dim3A_236 = vector.broadcast %jit3A_234 : i32 to vector<16xi32>
      %select_n3A_237 = arith.select %ge3A_232, %broadcast_in_dim3A_235, %broadcast_in_dim3A_236 : vector<16xi1>, vector<16xi32>
      %sub3A_238 = arith.subi %get3A_229, %select_n3A_237 : vector<16xi32>
      %ge3A_239 = arith.constant 1000000 : i32
      %ge3A_240 = vector.broadcast %ge3A_239 : i32 to vector<16xi32>
      %ge3A_241 = arith.cmpi sge, %sub3A_238, %ge3A_240 : vector<16xi32>
      %jit3A_242 = arith.constant 1000000 : i32
      %jit3A_243 = arith.constant 0 : i32
      %broadcast_in_dim3A_244 = vector.broadcast %jit3A_242 : i32 to vector<16xi32>
      %broadcast_in_dim3A_245 = vector.broadcast %jit3A_243 : i32 to vector<16xi32>
      %select_n3A_246 = arith.select %ge3A_241, %broadcast_in_dim3A_244, %broadcast_in_dim3A_245 : vector<16xi1>, vector<16xi32>
      %sub3A_247 = arith.subi %sub3A_238, %select_n3A_246 : vector<16xi32>
      %swap3A_248 = arith.index_cast %scan3A_18 : i32 to index
      %swap3A_249 = arith.constant 112 : index
      %swap3A_250 = tpu.vector_load %arg7[%swap3A_248, %swap3A_249] {strides = array<i32>} : memref<80x128xi32, #tpu.memory_space<vmem>>, vector<1x16xi32>,
      %swap3A_251 = vector.shape_cast %swap3A_250 : vector<1x16xi32> to vector<16xi32>
      %swap3A_252 = vector.shape_cast %sub3A_247 : vector<16xi32> to vector<1x16xi32>
      tpu.vector_store %arg7[%swap3A_248, %swap3A_249], %swap3A_252 {strides = array<i32>} : memref<80x128xi32, #tpu.memory_space<vmem>>, vector<1x16xi32>,
      %scan3A_253 = arith.constant 0 : i32
      scf.yield %scan3A_253 : i32
    }
    %scan3A_8 = arith.constant 80 : i32
    "tpu.region"() ({
      %run_scoped3A = tpu.sem_alloc : memref<!tpu.dma_semaphore, #tpu.memory_space<semaphore_mem>>
      %dma_start3A = arith.constant 0 : i32
      %dma_start3A_18 = arith.constant 0 : i32
      %dma_start3A_19 = tpu.memref_slice %arg4[%add3A, %dma_start3A, %dma_start3A_18] : memref<32x80x128xi32, #tpu.memory_space<hbm>> -> memref<1x80x128xi32, #tpu.memory_space<hbm>>
      %dma_start3A_20 = tpu.memref_squeeze %dma_start3A_19 : memref<1x80x128xi32, #tpu.memory_space<hbm>> -> memref<80x128xi32, #tpu.memory_space<hbm>>
      %dma_start3A_21 = arith.constant 0 : i32
      %dma_start3A_22 = arith.constant 0 : i32
      %dma_start3A_23 = tpu.memref_slice %arg4[%add3A, %dma_start3A_21, %dma_start3A_22] : memref<32x80x128xi32, #tpu.memory_space<hbm>> -> memref<1x80x128xi32, #tpu.memory_space<hbm>>
      %dma_start3A_24 = tpu.memref_squeeze %dma_start3A_23 : memref<1x80x128xi32, #tpu.memory_space<hbm>> -> memref<80x128xi32, #tpu.memory_space<hbm>>
      tpu.enqueue_dma source(%arg7 : memref<80x128xi32, #tpu.memory_space<vmem>>) target(%dma_start3A_24 : memref<80x128xi32, #tpu.memory_space<hbm>>) target_semaphore(%run_scoped3A : memref<!tpu.dma_semaphore, #tpu.memory_space<semaphore_mem>>)
      %dma_wait3A = arith.constant 0 : i32
      %dma_wait3A_25 = arith.constant 0 : i32
      %dma_wait3A_26 = tpu.memref_slice %arg4[%add3A, %dma_wait3A, %dma_wait3A_25] : memref<32x80x128xi32, #tpu.memory_space<hbm>> -> memref<1x80x128xi32, #tpu.memory_space<hbm>>
      %dma_wait3A_27 = tpu.memref_squeeze %dma_wait3A_26 : memref<1x80x128xi32, #tpu.memory_space<hbm>> -> memref<80x128xi32, #tpu.memory_space<hbm>>
      %dma_wait3A_28 = arith.constant 0 : i32
      %dma_wait3A_29 = arith.constant 0 : i32
      %dma_wait3A_30 = tpu.memref_slice %arg4[%add3A, %dma_wait3A_28, %dma_wait3A_29] : memref<32x80x128xi32, #tpu.memory_space<hbm>> -> memref<1x80x128xi32, #tpu.memory_space<hbm>>
      %dma_wait3A_31 = tpu.memref_squeeze %dma_wait3A_30 : memref<1x80x128xi32, #tpu.memory_space<hbm>> -> memref<80x128xi32, #tpu.memory_space<hbm>>
      tpu.wait_dma2 semaphore(%run_scoped3A : memref<!tpu.dma_semaphore, #tpu.memory_space<semaphore_mem>>) src(%arg7 : memref<80x128xi32, #tpu.memory_space<vmem>>) dst(%dma_wait3A_31 : memref<80x128xi32, #tpu.memory_space<hbm>>)
      tpu.yield
    }) : () -> ()
    %mul3A_9 = arith.constant 10240 : i32
    %mul3A_10 = arith.muli %add3A, %mul3A_9 : i32
    "tpu.region"() ({
      %run_scoped3A = tpu.sem_alloc : memref<!tpu.dma_semaphore, #tpu.memory_space<semaphore_mem>>
      %dma_start3A = tpu.memref_slice %arg3[%mul3A_10] : memref<327680xi32, #tpu.memory_space<hbm>> -> memref<10240xi32, #tpu.memory_space<hbm>>
      %dma_start3A_18 = tpu.memref_slice %arg3[%mul3A_10] : memref<327680xi32, #tpu.memory_space<hbm>> -> memref<10240xi32, #tpu.memory_space<hbm>>
      tpu.enqueue_dma source(%dma_start3A_18 : memref<10240xi32, #tpu.memory_space<hbm>>) target(%arg6 : memref<10240xi32, #tpu.memory_space<vmem>>) target_semaphore(%run_scoped3A : memref<!tpu.dma_semaphore, #tpu.memory_space<semaphore_mem>>)
      %dma_wait3A = tpu.memref_slice %arg3[%mul3A_10] : memref<327680xi32, #tpu.memory_space<hbm>> -> memref<10240xi32, #tpu.memory_space<hbm>>
      %dma_wait3A_19 = tpu.memref_slice %arg3[%mul3A_10] : memref<327680xi32, #tpu.memory_space<hbm>> -> memref<10240xi32, #tpu.memory_space<hbm>>
      tpu.wait_dma2 semaphore(%run_scoped3A : memref<!tpu.dma_semaphore, #tpu.memory_space<semaphore_mem>>) src(%dma_wait3A_19 : memref<10240xi32, #tpu.memory_space<hbm>>) dst(%arg6 : memref<10240xi32, #tpu.memory_space<vmem>>)
      tpu.yield
    }) : () -> ()
    %scan3A_11 = arith.constant 0 : i32
    %scan3A_12 = arith.constant 0 : i32
    %scan3A_13 = arith.constant 80 : i32
    %scan3A_14 = arith.addi %scan3A_12, %scan3A_13 : i32
    %scan3A_15 = arith.constant 1 : i32
    %scan3A_16 = scf.for %scan3A_18 = %scan3A_12 to %scan3A_14 step %scan3A_15 iter_args(%scan3A_19 = %scan3A_11) -> (i32)  : i32 {
      %mul3A_20 = arith.constant 128 : i32
      %mul3A_21 = arith.muli %scan3A_18, %mul3A_20 : i32
      %add3A_22 = arith.constant 0 : i32
      %add3A_23 = arith.addi %mul3A_21, %add3A_22 : i32
      %get3A = arith.index_cast %add3A_23 : i32 to index
      %get3A_24 = tpu.vector_load %arg6[%get3A] {strides = array<i32>} : memref<10240xi32, #tpu.memory_space<vmem>>, vector<16xi32>,
      %get3A_25 = vector.shape_cast %get3A_24 : vector<16xi32> to vector<16xi32>
      %ge3A = arith.constant 2000000 : i32
      %ge3A_26 = vector.broadcast %ge3A : i32 to vector<16xi32>
      %ge3A_27 = arith.cmpi sge, %get3A_25, %ge3A_26 : vector<16xi32>
      %jit3A = arith.constant 2000000 : i32
      %jit3A_28 = arith.constant 0 : i32
      %broadcast_in_dim3A = vector.broadcast %jit3A : i32 to vector<16xi32>
      %broadcast_in_dim3A_29 = vector.broadcast %jit3A_28 : i32 to vector<16xi32>
      %select_n3A = arith.select %ge3A_27, %broadcast_in_dim3A, %broadcast_in_dim3A_29 : vector<16xi1>, vector<16xi32>
      %sub3A = arith.subi %get3A_25, %select_n3A : vector<16xi32>
      %ge3A_30 = arith.constant 1000000 : i32
      %ge3A_31 = vector.broadcast %ge3A_30 : i32 to vector<16xi32>
      %ge3A_32 = arith.cmpi sge, %sub3A, %ge3A_31 : vector<16xi32>
      %jit3A_33 = arith.constant 1000000 : i32
      %jit3A_34 = arith.constant 0 : i32
      %broadcast_in_dim3A_35 = vector.broadcast %jit3A_33 : i32 to vector<16xi32>
      %broadcast_in_dim3A_36 = vector.broadcast %jit3A_34 : i32 to vector<16xi32>
      %select_n3A_37 = arith.select %ge3A_32, %broadcast_in_dim3A_35, %broadcast_in_dim3A_36 : vector<16xi1>, vector<16xi32>
      %sub3A_38 = arith.subi %sub3A, %select_n3A_37 : vector<16xi32>
      %swap3A = arith.index_cast %scan3A_18 : i32 to index
      %swap3A_39 = arith.constant 0 : index
      %swap3A_40 = tpu.vector_load %arg7[%swap3A, %swap3A_39] {strides = array<i32>} : memref<80x128xi32, #tpu.memory_space<vmem>>, vector<1x16xi32>,
      %swap3A_41 = vector.shape_cast %swap3A_40 : vector<1x16xi32> to vector<16xi32>
      %swap3A_42 = vector.shape_cast %sub3A_38 : vector<16xi32> to vector<1x16xi32>
      tpu.vector_store %arg7[%swap3A, %swap3A_39], %swap3A_42 {strides = array<i32>} : memref<80x128xi32, #tpu.memory_space<vmem>>, vector<1x16xi32>,
      %mul3A_43 = arith.constant 128 : i32
      %mul3A_44 = arith.muli %scan3A_18, %mul3A_43 : i32
      %add3A_45 = arith.constant 16 : i32
      %add3A_46 = arith.addi %mul3A_44, %add3A_45 : i32
      %get3A_47 = arith.index_cast %add3A_46 : i32 to index
      %get3A_48 = tpu.vector_load %arg6[%get3A_47] {strides = array<i32>} : memref<10240xi32, #tpu.memory_space<vmem>>, vector<16xi32>,
      %get3A_49 = vector.shape_cast %get3A_48 : vector<16xi32> to vector<16xi32>
      %ge3A_50 = arith.constant 2000000 : i32
      %ge3A_51 = vector.broadcast %ge3A_50 : i32 to vector<16xi32>
      %ge3A_52 = arith.cmpi sge, %get3A_49, %ge3A_51 : vector<16xi32>
      %jit3A_53 = arith.constant 2000000 : i32
      %jit3A_54 = arith.constant 0 : i32
      %broadcast_in_dim3A_55 = vector.broadcast %jit3A_53 : i32 to vector<16xi32>
      %broadcast_in_dim3A_56 = vector.broadcast %jit3A_54 : i32 to vector<16xi32>
      %select_n3A_57 = arith.select %ge3A_52, %broadcast_in_dim3A_55, %broadcast_in_dim3A_56 : vector<16xi1>, vector<16xi32>
      %sub3A_58 = arith.subi %get3A_49, %select_n3A_57 : vector<16xi32>
      %ge3A_59 = arith.constant 1000000 : i32
      %ge3A_60 = vector.broadcast %ge3A_59 : i32 to vector<16xi32>
      %ge3A_61 = arith.cmpi sge, %sub3A_58, %ge3A_60 : vector<16xi32>
      %jit3A_62 = arith.constant 1000000 : i32
      %jit3A_63 = arith.constant 0 : i32
      %broadcast_in_dim3A_64 = vector.broadcast %jit3A_62 : i32 to vector<16xi32>
      %broadcast_in_dim3A_65 = vector.broadcast %jit3A_63 : i32 to vector<16xi32>
      %select_n3A_66 = arith.select %ge3A_61, %broadcast_in_dim3A_64, %broadcast_in_dim3A_65 : vector<16xi1>, vector<16xi32>
      %sub3A_67 = arith.subi %sub3A_58, %select_n3A_66 : vector<16xi32>
      %swap3A_68 = arith.index_cast %scan3A_18 : i32 to index
      %swap3A_69 = arith.constant 16 : index
      %swap3A_70 = tpu.vector_load %arg7[%swap3A_68, %swap3A_69] {strides = array<i32>} : memref<80x128xi32, #tpu.memory_space<vmem>>, vector<1x16xi32>,
      %swap3A_71 = vector.shape_cast %swap3A_70 : vector<1x16xi32> to vector<16xi32>
      %swap3A_72 = vector.shape_cast %sub3A_67 : vector<16xi32> to vector<1x16xi32>
      tpu.vector_store %arg7[%swap3A_68, %swap3A_69], %swap3A_72 {strides = array<i32>} : memref<80x128xi32, #tpu.memory_space<vmem>>, vector<1x16xi32>,
      %mul3A_73 = arith.constant 128 : i32
      %mul3A_74 = arith.muli %scan3A_18, %mul3A_73 : i32
      %add3A_75 = arith.constant 32 : i32
      %add3A_76 = arith.addi %mul3A_74, %add3A_75 : i32
      %get3A_77 = arith.index_cast %add3A_76 : i32 to index
      %get3A_78 = tpu.vector_load %arg6[%get3A_77] {strides = array<i32>} : memref<10240xi32, #tpu.memory_space<vmem>>, vector<16xi32>,
      %get3A_79 = vector.shape_cast %get3A_78 : vector<16xi32> to vector<16xi32>
      %ge3A_80 = arith.constant 2000000 : i32
      %ge3A_81 = vector.broadcast %ge3A_80 : i32 to vector<16xi32>
      %ge3A_82 = arith.cmpi sge, %get3A_79, %ge3A_81 : vector<16xi32>
      %jit3A_83 = arith.constant 2000000 : i32
      %jit3A_84 = arith.constant 0 : i32
      %broadcast_in_dim3A_85 = vector.broadcast %jit3A_83 : i32 to vector<16xi32>
      %broadcast_in_dim3A_86 = vector.broadcast %jit3A_84 : i32 to vector<16xi32>
      %select_n3A_87 = arith.select %ge3A_82, %broadcast_in_dim3A_85, %broadcast_in_dim3A_86 : vector<16xi1>, vector<16xi32>
      %sub3A_88 = arith.subi %get3A_79, %select_n3A_87 : vector<16xi32>
      %ge3A_89 = arith.constant 1000000 : i32
      %ge3A_90 = vector.broadcast %ge3A_89 : i32 to vector<16xi32>
      %ge3A_91 = arith.cmpi sge, %sub3A_88, %ge3A_90 : vector<16xi32>
      %jit3A_92 = arith.constant 1000000 : i32
      %jit3A_93 = arith.constant 0 : i32
      %broadcast_in_dim3A_94 = vector.broadcast %jit3A_92 : i32 to vector<16xi32>
      %broadcast_in_dim3A_95 = vector.broadcast %jit3A_93 : i32 to vector<16xi32>
      %select_n3A_96 = arith.select %ge3A_91, %broadcast_in_dim3A_94, %broadcast_in_dim3A_95 : vector<16xi1>, vector<16xi32>
      %sub3A_97 = arith.subi %sub3A_88, %select_n3A_96 : vector<16xi32>
      %swap3A_98 = arith.index_cast %scan3A_18 : i32 to index
      %swap3A_99 = arith.constant 32 : index
      %swap3A_100 = tpu.vector_load %arg7[%swap3A_98, %swap3A_99] {strides = array<i32>} : memref<80x128xi32, #tpu.memory_space<vmem>>, vector<1x16xi32>,
      %swap3A_101 = vector.shape_cast %swap3A_100 : vector<1x16xi32> to vector<16xi32>
      %swap3A_102 = vector.shape_cast %sub3A_97 : vector<16xi32> to vector<1x16xi32>
      tpu.vector_store %arg7[%swap3A_98, %swap3A_99], %swap3A_102 {strides = array<i32>} : memref<80x128xi32, #tpu.memory_space<vmem>>, vector<1x16xi32>,
      %mul3A_103 = arith.constant 128 : i32
      %mul3A_104 = arith.muli %scan3A_18, %mul3A_103 : i32
      %add3A_105 = arith.constant 48 : i32
      %add3A_106 = arith.addi %mul3A_104, %add3A_105 : i32
      %get3A_107 = arith.index_cast %add3A_106 : i32 to index
      %get3A_108 = tpu.vector_load %arg6[%get3A_107] {strides = array<i32>} : memref<10240xi32, #tpu.memory_space<vmem>>, vector<16xi32>,
      %get3A_109 = vector.shape_cast %get3A_108 : vector<16xi32> to vector<16xi32>
      %ge3A_110 = arith.constant 2000000 : i32
      %ge3A_111 = vector.broadcast %ge3A_110 : i32 to vector<16xi32>
      %ge3A_112 = arith.cmpi sge, %get3A_109, %ge3A_111 : vector<16xi32>
      %jit3A_113 = arith.constant 2000000 : i32
      %jit3A_114 = arith.constant 0 : i32
      %broadcast_in_dim3A_115 = vector.broadcast %jit3A_113 : i32 to vector<16xi32>
      %broadcast_in_dim3A_116 = vector.broadcast %jit3A_114 : i32 to vector<16xi32>
      %select_n3A_117 = arith.select %ge3A_112, %broadcast_in_dim3A_115, %broadcast_in_dim3A_116 : vector<16xi1>, vector<16xi32>
      %sub3A_118 = arith.subi %get3A_109, %select_n3A_117 : vector<16xi32>
      %ge3A_119 = arith.constant 1000000 : i32
      %ge3A_120 = vector.broadcast %ge3A_119 : i32 to vector<16xi32>
      %ge3A_121 = arith.cmpi sge, %sub3A_118, %ge3A_120 : vector<16xi32>
      %jit3A_122 = arith.constant 1000000 : i32
      %jit3A_123 = arith.constant 0 : i32
      %broadcast_in_dim3A_124 = vector.broadcast %jit3A_122 : i32 to vector<16xi32>
      %broadcast_in_dim3A_125 = vector.broadcast %jit3A_123 : i32 to vector<16xi32>
      %select_n3A_126 = arith.select %ge3A_121, %broadcast_in_dim3A_124, %broadcast_in_dim3A_125 : vector<16xi1>, vector<16xi32>
      %sub3A_127 = arith.subi %sub3A_118, %select_n3A_126 : vector<16xi32>
      %swap3A_128 = arith.index_cast %scan3A_18 : i32 to index
      %swap3A_129 = arith.constant 48 : index
      %swap3A_130 = tpu.vector_load %arg7[%swap3A_128, %swap3A_129] {strides = array<i32>} : memref<80x128xi32, #tpu.memory_space<vmem>>, vector<1x16xi32>,
      %swap3A_131 = vector.shape_cast %swap3A_130 : vector<1x16xi32> to vector<16xi32>
      %swap3A_132 = vector.shape_cast %sub3A_127 : vector<16xi32> to vector<1x16xi32>
      tpu.vector_store %arg7[%swap3A_128, %swap3A_129], %swap3A_132 {strides = array<i32>} : memref<80x128xi32, #tpu.memory_space<vmem>>, vector<1x16xi32>,
      %mul3A_133 = arith.constant 128 : i32
      %mul3A_134 = arith.muli %scan3A_18, %mul3A_133 : i32
      %add3A_135 = arith.constant 64 : i32
      %add3A_136 = arith.addi %mul3A_134, %add3A_135 : i32
      %get3A_137 = arith.index_cast %add3A_136 : i32 to index
      %get3A_138 = tpu.vector_load %arg6[%get3A_137] {strides = array<i32>} : memref<10240xi32, #tpu.memory_space<vmem>>, vector<16xi32>,
      %get3A_139 = vector.shape_cast %get3A_138 : vector<16xi32> to vector<16xi32>
      %ge3A_140 = arith.constant 2000000 : i32
      %ge3A_141 = vector.broadcast %ge3A_140 : i32 to vector<16xi32>
      %ge3A_142 = arith.cmpi sge, %get3A_139, %ge3A_141 : vector<16xi32>
      %jit3A_143 = arith.constant 2000000 : i32
      %jit3A_144 = arith.constant 0 : i32
      %broadcast_in_dim3A_145 = vector.broadcast %jit3A_143 : i32 to vector<16xi32>
      %broadcast_in_dim3A_146 = vector.broadcast %jit3A_144 : i32 to vector<16xi32>
      %select_n3A_147 = arith.select %ge3A_142, %broadcast_in_dim3A_145, %broadcast_in_dim3A_146 : vector<16xi1>, vector<16xi32>
      %sub3A_148 = arith.subi %get3A_139, %select_n3A_147 : vector<16xi32>
      %ge3A_149 = arith.constant 1000000 : i32
      %ge3A_150 = vector.broadcast %ge3A_149 : i32 to vector<16xi32>
      %ge3A_151 = arith.cmpi sge, %sub3A_148, %ge3A_150 : vector<16xi32>
      %jit3A_152 = arith.constant 1000000 : i32
      %jit3A_153 = arith.constant 0 : i32
      %broadcast_in_dim3A_154 = vector.broadcast %jit3A_152 : i32 to vector<16xi32>
      %broadcast_in_dim3A_155 = vector.broadcast %jit3A_153 : i32 to vector<16xi32>
      %select_n3A_156 = arith.select %ge3A_151, %broadcast_in_dim3A_154, %broadcast_in_dim3A_155 : vector<16xi1>, vector<16xi32>
      %sub3A_157 = arith.subi %sub3A_148, %select_n3A_156 : vector<16xi32>
      %swap3A_158 = arith.index_cast %scan3A_18 : i32 to index
      %swap3A_159 = arith.constant 64 : index
      %swap3A_160 = tpu.vector_load %arg7[%swap3A_158, %swap3A_159] {strides = array<i32>} : memref<80x128xi32, #tpu.memory_space<vmem>>, vector<1x16xi32>,
      %swap3A_161 = vector.shape_cast %swap3A_160 : vector<1x16xi32> to vector<16xi32>
      %swap3A_162 = vector.shape_cast %sub3A_157 : vector<16xi32> to vector<1x16xi32>
      tpu.vector_store %arg7[%swap3A_158, %swap3A_159], %swap3A_162 {strides = array<i32>} : memref<80x128xi32, #tpu.memory_space<vmem>>, vector<1x16xi32>,
      %mul3A_163 = arith.constant 128 : i32
      %mul3A_164 = arith.muli %scan3A_18, %mul3A_163 : i32
      %add3A_165 = arith.constant 80 : i32
      %add3A_166 = arith.addi %mul3A_164, %add3A_165 : i32
      %get3A_167 = arith.index_cast %add3A_166 : i32 to index
      %get3A_168 = tpu.vector_load %arg6[%get3A_167] {strides = array<i32>} : memref<10240xi32, #tpu.memory_space<vmem>>, vector<16xi32>,
      %get3A_169 = vector.shape_cast %get3A_168 : vector<16xi32> to vector<16xi32>
      %ge3A_170 = arith.constant 2000000 : i32
      %ge3A_171 = vector.broadcast %ge3A_170 : i32 to vector<16xi32>
      %ge3A_172 = arith.cmpi sge, %get3A_169, %ge3A_171 : vector<16xi32>
      %jit3A_173 = arith.constant 2000000 : i32
      %jit3A_174 = arith.constant 0 : i32
      %broadcast_in_dim3A_175 = vector.broadcast %jit3A_173 : i32 to vector<16xi32>
      %broadcast_in_dim3A_176 = vector.broadcast %jit3A_174 : i32 to vector<16xi32>
      %select_n3A_177 = arith.select %ge3A_172, %broadcast_in_dim3A_175, %broadcast_in_dim3A_176 : vector<16xi1>, vector<16xi32>
      %sub3A_178 = arith.subi %get3A_169, %select_n3A_177 : vector<16xi32>
      %ge3A_179 = arith.constant 1000000 : i32
      %ge3A_180 = vector.broadcast %ge3A_179 : i32 to vector<16xi32>
      %ge3A_181 = arith.cmpi sge, %sub3A_178, %ge3A_180 : vector<16xi32>
      %jit3A_182 = arith.constant 1000000 : i32
      %jit3A_183 = arith.constant 0 : i32
      %broadcast_in_dim3A_184 = vector.broadcast %jit3A_182 : i32 to vector<16xi32>
      %broadcast_in_dim3A_185 = vector.broadcast %jit3A_183 : i32 to vector<16xi32>
      %select_n3A_186 = arith.select %ge3A_181, %broadcast_in_dim3A_184, %broadcast_in_dim3A_185 : vector<16xi1>, vector<16xi32>
      %sub3A_187 = arith.subi %sub3A_178, %select_n3A_186 : vector<16xi32>
      %swap3A_188 = arith.index_cast %scan3A_18 : i32 to index
      %swap3A_189 = arith.constant 80 : index
      %swap3A_190 = tpu.vector_load %arg7[%swap3A_188, %swap3A_189] {strides = array<i32>} : memref<80x128xi32, #tpu.memory_space<vmem>>, vector<1x16xi32>,
      %swap3A_191 = vector.shape_cast %swap3A_190 : vector<1x16xi32> to vector<16xi32>
      %swap3A_192 = vector.shape_cast %sub3A_187 : vector<16xi32> to vector<1x16xi32>
      tpu.vector_store %arg7[%swap3A_188, %swap3A_189], %swap3A_192 {strides = array<i32>} : memref<80x128xi32, #tpu.memory_space<vmem>>, vector<1x16xi32>,
      %mul3A_193 = arith.constant 128 : i32
      %mul3A_194 = arith.muli %scan3A_18, %mul3A_193 : i32
      %add3A_195 = arith.constant 96 : i32
      %add3A_196 = arith.addi %mul3A_194, %add3A_195 : i32
      %get3A_197 = arith.index_cast %add3A_196 : i32 to index
      %get3A_198 = tpu.vector_load %arg6[%get3A_197] {strides = array<i32>} : memref<10240xi32, #tpu.memory_space<vmem>>, vector<16xi32>,
      %get3A_199 = vector.shape_cast %get3A_198 : vector<16xi32> to vector<16xi32>
      %ge3A_200 = arith.constant 2000000 : i32
      %ge3A_201 = vector.broadcast %ge3A_200 : i32 to vector<16xi32>
      %ge3A_202 = arith.cmpi sge, %get3A_199, %ge3A_201 : vector<16xi32>
      %jit3A_203 = arith.constant 2000000 : i32
      %jit3A_204 = arith.constant 0 : i32
      %broadcast_in_dim3A_205 = vector.broadcast %jit3A_203 : i32 to vector<16xi32>
      %broadcast_in_dim3A_206 = vector.broadcast %jit3A_204 : i32 to vector<16xi32>
      %select_n3A_207 = arith.select %ge3A_202, %broadcast_in_dim3A_205, %broadcast_in_dim3A_206 : vector<16xi1>, vector<16xi32>
      %sub3A_208 = arith.subi %get3A_199, %select_n3A_207 : vector<16xi32>
      %ge3A_209 = arith.constant 1000000 : i32
      %ge3A_210 = vector.broadcast %ge3A_209 : i32 to vector<16xi32>
      %ge3A_211 = arith.cmpi sge, %sub3A_208, %ge3A_210 : vector<16xi32>
      %jit3A_212 = arith.constant 1000000 : i32
      %jit3A_213 = arith.constant 0 : i32
      %broadcast_in_dim3A_214 = vector.broadcast %jit3A_212 : i32 to vector<16xi32>
      %broadcast_in_dim3A_215 = vector.broadcast %jit3A_213 : i32 to vector<16xi32>
      %select_n3A_216 = arith.select %ge3A_211, %broadcast_in_dim3A_214, %broadcast_in_dim3A_215 : vector<16xi1>, vector<16xi32>
      %sub3A_217 = arith.subi %sub3A_208, %select_n3A_216 : vector<16xi32>
      %swap3A_218 = arith.index_cast %scan3A_18 : i32 to index
      %swap3A_219 = arith.constant 96 : index
      %swap3A_220 = tpu.vector_load %arg7[%swap3A_218, %swap3A_219] {strides = array<i32>} : memref<80x128xi32, #tpu.memory_space<vmem>>, vector<1x16xi32>,
      %swap3A_221 = vector.shape_cast %swap3A_220 : vector<1x16xi32> to vector<16xi32>
      %swap3A_222 = vector.shape_cast %sub3A_217 : vector<16xi32> to vector<1x16xi32>
      tpu.vector_store %arg7[%swap3A_218, %swap3A_219], %swap3A_222 {strides = array<i32>} : memref<80x128xi32, #tpu.memory_space<vmem>>, vector<1x16xi32>,
      %mul3A_223 = arith.constant 128 : i32
      %mul3A_224 = arith.muli %scan3A_18, %mul3A_223 : i32
      %add3A_225 = arith.constant 112 : i32
      %add3A_226 = arith.addi %mul3A_224, %add3A_225 : i32
      %get3A_227 = arith.index_cast %add3A_226 : i32 to index
      %get3A_228 = tpu.vector_load %arg6[%get3A_227] {strides = array<i32>} : memref<10240xi32, #tpu.memory_space<vmem>>, vector<16xi32>,
      %get3A_229 = vector.shape_cast %get3A_228 : vector<16xi32> to vector<16xi32>
      %ge3A_230 = arith.constant 2000000 : i32
      %ge3A_231 = vector.broadcast %ge3A_230 : i32 to vector<16xi32>
      %ge3A_232 = arith.cmpi sge, %get3A_229, %ge3A_231 : vector<16xi32>
      %jit3A_233 = arith.constant 2000000 : i32
      %jit3A_234 = arith.constant 0 : i32
      %broadcast_in_dim3A_235 = vector.broadcast %jit3A_233 : i32 to vector<16xi32>
      %broadcast_in_dim3A_236 = vector.broadcast %jit3A_234 : i32 to vector<16xi32>
      %select_n3A_237 = arith.select %ge3A_232, %broadcast_in_dim3A_235, %broadcast_in_dim3A_236 : vector<16xi1>, vector<16xi32>
      %sub3A_238 = arith.subi %get3A_229, %select_n3A_237 : vector<16xi32>
      %ge3A_239 = arith.constant 1000000 : i32
      %ge3A_240 = vector.broadcast %ge3A_239 : i32 to vector<16xi32>
      %ge3A_241 = arith.cmpi sge, %sub3A_238, %ge3A_240 : vector<16xi32>
      %jit3A_242 = arith.constant 1000000 : i32
      %jit3A_243 = arith.constant 0 : i32
      %broadcast_in_dim3A_244 = vector.broadcast %jit3A_242 : i32 to vector<16xi32>
      %broadcast_in_dim3A_245 = vector.broadcast %jit3A_243 : i32 to vector<16xi32>
      %select_n3A_246 = arith.select %ge3A_241, %broadcast_in_dim3A_244, %broadcast_in_dim3A_245 : vector<16xi1>, vector<16xi32>
      %sub3A_247 = arith.subi %sub3A_238, %select_n3A_246 : vector<16xi32>
      %swap3A_248 = arith.index_cast %scan3A_18 : i32 to index
      %swap3A_249 = arith.constant 112 : index
      %swap3A_250 = tpu.vector_load %arg7[%swap3A_248, %swap3A_249] {strides = array<i32>} : memref<80x128xi32, #tpu.memory_space<vmem>>, vector<1x16xi32>,
      %swap3A_251 = vector.shape_cast %swap3A_250 : vector<1x16xi32> to vector<16xi32>
      %swap3A_252 = vector.shape_cast %sub3A_247 : vector<16xi32> to vector<1x16xi32>
      tpu.vector_store %arg7[%swap3A_248, %swap3A_249], %swap3A_252 {strides = array<i32>} : memref<80x128xi32, #tpu.memory_space<vmem>>, vector<1x16xi32>,
      %scan3A_253 = arith.constant 0 : i32
      scf.yield %scan3A_253 : i32
    }
    %scan3A_17 = arith.constant 80 : i32
    "tpu.region"() ({
      %run_scoped3A = tpu.sem_alloc : memref<!tpu.dma_semaphore, #tpu.memory_space<semaphore_mem>>
      %dma_start3A = arith.constant 0 : i32
      %dma_start3A_18 = arith.constant 0 : i32
      %dma_start3A_19 = tpu.memref_slice %arg5[%add3A, %dma_start3A, %dma_start3A_18] : memref<32x80x128xi32, #tpu.memory_space<hbm>> -> memref<1x80x128xi32, #tpu.memory_space<hbm>>
      %dma_start3A_20 = tpu.memref_squeeze %dma_start3A_19 : memref<1x80x128xi32, #tpu.memory_space<hbm>> -> memref<80x128xi32, #tpu.memory_space<hbm>>
      %dma_start3A_21 = arith.constant 0 : i32
      %dma_start3A_22 = arith.constant 0 : i32
      %dma_start3A_23 = tpu.memref_slice %arg5[%add3A, %dma_start3A_21, %dma_start3A_22] : memref<32x80x128xi32, #tpu.memory_space<hbm>> -> memref<1x80x128xi32, #tpu.memory_space<hbm>>
      %dma_start3A_24 = tpu.memref_squeeze %dma_start3A_23 : memref<1x80x128xi32, #tpu.memory_space<hbm>> -> memref<80x128xi32, #tpu.memory_space<hbm>>
      tpu.enqueue_dma source(%arg7 : memref<80x128xi32, #tpu.memory_space<vmem>>) target(%dma_start3A_24 : memref<80x128xi32, #tpu.memory_space<hbm>>) target_semaphore(%run_scoped3A : memref<!tpu.dma_semaphore, #tpu.memory_space<semaphore_mem>>)
      %dma_wait3A = arith.constant 0 : i32
      %dma_wait3A_25 = arith.constant 0 : i32
      %dma_wait3A_26 = tpu.memref_slice %arg5[%add3A, %dma_wait3A, %dma_wait3A_25] : memref<32x80x128xi32, #tpu.memory_space<hbm>> -> memref<1x80x128xi32, #tpu.memory_space<hbm>>
      %dma_wait3A_27 = tpu.memref_squeeze %dma_wait3A_26 : memref<1x80x128xi32, #tpu.memory_space<hbm>> -> memref<80x128xi32, #tpu.memory_space<hbm>>
      %dma_wait3A_28 = arith.constant 0 : i32
      %dma_wait3A_29 = arith.constant 0 : i32
      %dma_wait3A_30 = tpu.memref_slice %arg5[%add3A, %dma_wait3A_28, %dma_wait3A_29] : memref<32x80x128xi32, #tpu.memory_space<hbm>> -> memref<1x80x128xi32, #tpu.memory_space<hbm>>
      %dma_wait3A_31 = tpu.memref_squeeze %dma_wait3A_30 : memref<1x80x128xi32, #tpu.memory_space<hbm>> -> memref<80x128xi32, #tpu.memory_space<hbm>>
      tpu.wait_dma2 semaphore(%run_scoped3A : memref<!tpu.dma_semaphore, #tpu.memory_space<semaphore_mem>>) src(%arg7 : memref<80x128xi32, #tpu.memory_space<vmem>>) dst(%dma_wait3A_31 : memref<80x128xi32, #tpu.memory_space<hbm>>)
      tpu.yield
    }) : () -> ()
    return
  }
}

#map = affine_map<(d0, d1) -> (0, 0, 0)>
#map1 = affine_map<(d0, d1) -> (0)>
#map2 = affine_map<(d0, d1) -> (0, 0)>
module attributes {stable_mosaic.version = 14 : i64} {
  func.func @_sc_gather_body(%arg0: i32, %arg1: i32, %arg2: memref<32x80x128xi32, #tpu.memory_space<hbm>>, %arg3: memref<32x80x128xi32, #tpu.memory_space<hbm>>, %arg4: memref<1015808xf32, #tpu.memory_space<hbm>>, %arg5: memref<32x16xf32, #tpu.memory_space<hbm>>, %arg6: memref<160x128xi32, #tpu.memory_space<vmem>>, %arg7: memref<8x128xf32, #tpu.memory_space<vmem>>, %arg8: memref<16xf32, #tpu.memory_space<vmem>>, %arg9: memref<1015808xf32, #tpu.memory_space<vmem_shared>>, %arg10: memref<31744xf32, #tpu.memory_space<vmem>>, %arg11: memref<!tpu.dma_semaphore, #tpu.memory_space<semaphore_mem>>, %arg12: memref<!tpu.dma_semaphore, #tpu.memory_space<semaphore_mem>>, %arg13: memref<!tpu.dma_semaphore, #tpu.memory_space<semaphore_mem>>, %arg14: memref<!tpu.dma_semaphore, #tpu.memory_space<semaphore_mem>>, %arg15: memref<!tpu.dma_semaphore, #tpu.memory_space<semaphore_mem>>, %arg16: memref<!tpu.dma_semaphore, #tpu.memory_space<semaphore_mem>>, %arg17: memref<!tpu.dma_semaphore, #tpu.memory_space<semaphore_mem>>, %arg18: memref<!tpu.dma_semaphore, #tpu.memory_space<semaphore_mem>>) attributes {dimension_semantics = [#tpu.dimension_semantics<core_parallel>, #tpu.dimension_semantics<subcore_parallel>], iteration_bounds = array<i64: 2, 16>, scalar_prefetch = 0 : i64, scratch_operands = 13 : i64, tpu.core_type = #tpu.core_type<sc_vector_subcore>, window_params = [{transform_indices = #map}, {transform_indices = #map}, {transform_indices = #map1}, {transform_indices = #map2}]} {
    %mul3A = arith.constant 2 : i32
    %mul3A_0 = arith.muli %arg1, %mul3A : i32
    %add3A = arith.addi %mul3A_0, %arg0 : i32
    %mul3A_1 = arith.constant 63488 : i32
    %mul3A_2 = arith.muli %arg1, %mul3A_1 : i32
    %add3A_3 = arith.constant 0 : i32
    %add3A_4 = arith.addi %mul3A_2, %add3A_3 : i32
    "tpu.region"() ({
      %run_scoped3A = tpu.sem_alloc : memref<!tpu.dma_semaphore, #tpu.memory_space<semaphore_mem>>
      %dma_start3A_98 = tpu.memref_slice %arg4[%add3A_4] : memref<1015808xf32, #tpu.memory_space<hbm>> -> memref<31744xf32, #tpu.memory_space<hbm>>
      %dma_start3A_99 = tpu.memref_slice %arg4[%add3A_4] : memref<1015808xf32, #tpu.memory_space<hbm>> -> memref<31744xf32, #tpu.memory_space<hbm>>
      tpu.enqueue_dma source(%dma_start3A_99 : memref<31744xf32, #tpu.memory_space<hbm>>) target(%arg10 : memref<31744xf32, #tpu.memory_space<vmem>>) target_semaphore(%run_scoped3A : memref<!tpu.dma_semaphore, #tpu.memory_space<semaphore_mem>>)
      %dma_wait3A = tpu.memref_slice %arg4[%add3A_4] : memref<1015808xf32, #tpu.memory_space<hbm>> -> memref<31744xf32, #tpu.memory_space<hbm>>
      %dma_wait3A_100 = tpu.memref_slice %arg4[%add3A_4] : memref<1015808xf32, #tpu.memory_space<hbm>> -> memref<31744xf32, #tpu.memory_space<hbm>>
      tpu.wait_dma2 semaphore(%run_scoped3A : memref<!tpu.dma_semaphore, #tpu.memory_space<semaphore_mem>>) src(%dma_wait3A_100 : memref<31744xf32, #tpu.memory_space<hbm>>) dst(%arg10 : memref<31744xf32, #tpu.memory_space<vmem>>)
      tpu.yield
    }) : () -> ()
    "tpu.region"() ({
      %run_scoped3A = tpu.sem_alloc : memref<!tpu.dma_semaphore, #tpu.memory_space<semaphore_mem>>
      %dma_start3A_98 = tpu.memref_slice %arg9[%add3A_4] : memref<1015808xf32, #tpu.memory_space<vmem_shared>> -> memref<31744xf32, #tpu.memory_space<vmem_shared>>
      %dma_start3A_99 = tpu.memref_slice %arg9[%add3A_4] : memref<1015808xf32, #tpu.memory_space<vmem_shared>> -> memref<31744xf32, #tpu.memory_space<vmem_shared>>
      tpu.enqueue_dma source(%arg10 : memref<31744xf32, #tpu.memory_space<vmem>>) target(%dma_start3A_99 : memref<31744xf32, #tpu.memory_space<vmem_shared>>) target_semaphore(%run_scoped3A : memref<!tpu.dma_semaphore, #tpu.memory_space<semaphore_mem>>)
      %dma_wait3A = tpu.memref_slice %arg9[%add3A_4] : memref<1015808xf32, #tpu.memory_space<vmem_shared>> -> memref<31744xf32, #tpu.memory_space<vmem_shared>>
      %dma_wait3A_100 = tpu.memref_slice %arg9[%add3A_4] : memref<1015808xf32, #tpu.memory_space<vmem_shared>> -> memref<31744xf32, #tpu.memory_space<vmem_shared>>
      tpu.wait_dma2 semaphore(%run_scoped3A : memref<!tpu.dma_semaphore, #tpu.memory_space<semaphore_mem>>) src(%arg10 : memref<31744xf32, #tpu.memory_space<vmem>>) dst(%dma_wait3A_100 : memref<31744xf32, #tpu.memory_space<vmem_shared>>)
      tpu.yield
    }) : () -> ()
    %mul3A_5 = arith.constant 63488 : i32
    %mul3A_6 = arith.muli %arg1, %mul3A_5 : i32
    %add3A_7 = arith.constant 31744 : i32
    %add3A_8 = arith.addi %mul3A_6, %add3A_7 : i32
    "tpu.region"() ({
      %run_scoped3A = tpu.sem_alloc : memref<!tpu.dma_semaphore, #tpu.memory_space<semaphore_mem>>
      %dma_start3A_98 = tpu.memref_slice %arg4[%add3A_8] : memref<1015808xf32, #tpu.memory_space<hbm>> -> memref<31744xf32, #tpu.memory_space<hbm>>
      %dma_start3A_99 = tpu.memref_slice %arg4[%add3A_8] : memref<1015808xf32, #tpu.memory_space<hbm>> -> memref<31744xf32, #tpu.memory_space<hbm>>
      tpu.enqueue_dma source(%dma_start3A_99 : memref<31744xf32, #tpu.memory_space<hbm>>) target(%arg10 : memref<31744xf32, #tpu.memory_space<vmem>>) target_semaphore(%run_scoped3A : memref<!tpu.dma_semaphore, #tpu.memory_space<semaphore_mem>>)
      %dma_wait3A = tpu.memref_slice %arg4[%add3A_8] : memref<1015808xf32, #tpu.memory_space<hbm>> -> memref<31744xf32, #tpu.memory_space<hbm>>
      %dma_wait3A_100 = tpu.memref_slice %arg4[%add3A_8] : memref<1015808xf32, #tpu.memory_space<hbm>> -> memref<31744xf32, #tpu.memory_space<hbm>>
      tpu.wait_dma2 semaphore(%run_scoped3A : memref<!tpu.dma_semaphore, #tpu.memory_space<semaphore_mem>>) src(%dma_wait3A_100 : memref<31744xf32, #tpu.memory_space<hbm>>) dst(%arg10 : memref<31744xf32, #tpu.memory_space<vmem>>)
      tpu.yield
    }) : () -> ()
    "tpu.region"() ({
      %run_scoped3A = tpu.sem_alloc : memref<!tpu.dma_semaphore, #tpu.memory_space<semaphore_mem>>
      %dma_start3A_98 = tpu.memref_slice %arg9[%add3A_8] : memref<1015808xf32, #tpu.memory_space<vmem_shared>> -> memref<31744xf32, #tpu.memory_space<vmem_shared>>
      %dma_start3A_99 = tpu.memref_slice %arg9[%add3A_8] : memref<1015808xf32, #tpu.memory_space<vmem_shared>> -> memref<31744xf32, #tpu.memory_space<vmem_shared>>
      tpu.enqueue_dma source(%arg10 : memref<31744xf32, #tpu.memory_space<vmem>>) target(%dma_start3A_99 : memref<31744xf32, #tpu.memory_space<vmem_shared>>) target_semaphore(%run_scoped3A : memref<!tpu.dma_semaphore, #tpu.memory_space<semaphore_mem>>)
      %dma_wait3A = tpu.memref_slice %arg9[%add3A_8] : memref<1015808xf32, #tpu.memory_space<vmem_shared>> -> memref<31744xf32, #tpu.memory_space<vmem_shared>>
      %dma_wait3A_100 = tpu.memref_slice %arg9[%add3A_8] : memref<1015808xf32, #tpu.memory_space<vmem_shared>> -> memref<31744xf32, #tpu.memory_space<vmem_shared>>
      tpu.wait_dma2 semaphore(%run_scoped3A : memref<!tpu.dma_semaphore, #tpu.memory_space<semaphore_mem>>) src(%arg10 : memref<31744xf32, #tpu.memory_space<vmem>>) dst(%dma_wait3A_100 : memref<31744xf32, #tpu.memory_space<vmem_shared>>)
      tpu.yield
    }) : () -> ()
    "tpu.region"() ({
      %run_scoped3A = tpu.sem_alloc : memref<!tpu.dma_semaphore, #tpu.memory_space<semaphore_mem>>
      %dma_start3A_98 = arith.constant 0 : i32
      %dma_start3A_99 = arith.constant 0 : i32
      %dma_start3A_100 = tpu.memref_slice %arg6[%dma_start3A_98, %dma_start3A_99] : memref<160x128xi32, #tpu.memory_space<vmem>> -> memref<80x128xi32, #tpu.memory_space<vmem>>
      %dma_start3A_101 = arith.constant 0 : i32
      %dma_start3A_102 = arith.constant 0 : i32
      %dma_start3A_103 = tpu.memref_slice %arg2[%add3A, %dma_start3A_101, %dma_start3A_102] : memref<32x80x128xi32, #tpu.memory_space<hbm>> -> memref<1x80x128xi32, #tpu.memory_space<hbm>>
      %dma_start3A_104 = tpu.memref_squeeze %dma_start3A_103 : memref<1x80x128xi32, #tpu.memory_space<hbm>> -> memref<80x128xi32, #tpu.memory_space<hbm>>
      %dma_start3A_105 = arith.constant 0 : i32
      %dma_start3A_106 = arith.constant 0 : i32
      %dma_start3A_107 = tpu.memref_slice %arg6[%dma_start3A_105, %dma_start3A_106] : memref<160x128xi32, #tpu.memory_space<vmem>> -> memref<80x128xi32, #tpu.memory_space<vmem>>
      %dma_start3A_108 = arith.constant 0 : i32
      %dma_start3A_109 = arith.constant 0 : i32
      %dma_start3A_110 = tpu.memref_slice %arg2[%add3A, %dma_start3A_108, %dma_start3A_109] : memref<32x80x128xi32, #tpu.memory_space<hbm>> -> memref<1x80x128xi32, #tpu.memory_space<hbm>>
      %dma_start3A_111 = tpu.memref_squeeze %dma_start3A_110 : memref<1x80x128xi32, #tpu.memory_space<hbm>> -> memref<80x128xi32, #tpu.memory_space<hbm>>
      tpu.enqueue_dma source(%dma_start3A_111 : memref<80x128xi32, #tpu.memory_space<hbm>>) target(%dma_start3A_107 : memref<80x128xi32, #tpu.memory_space<vmem>>) target_semaphore(%run_scoped3A : memref<!tpu.dma_semaphore, #tpu.memory_space<semaphore_mem>>)
      %dma_wait3A = arith.constant 0 : i32
      %dma_wait3A_112 = arith.constant 0 : i32
      %dma_wait3A_113 = tpu.memref_slice %arg6[%dma_wait3A, %dma_wait3A_112] : memref<160x128xi32, #tpu.memory_space<vmem>> -> memref<80x128xi32, #tpu.memory_space<vmem>>
      %dma_wait3A_114 = arith.constant 0 : i32
      %dma_wait3A_115 = arith.constant 0 : i32
      %dma_wait3A_116 = tpu.memref_slice %arg2[%add3A, %dma_wait3A_114, %dma_wait3A_115] : memref<32x80x128xi32, #tpu.memory_space<hbm>> -> memref<1x80x128xi32, #tpu.memory_space<hbm>>
      %dma_wait3A_117 = tpu.memref_squeeze %dma_wait3A_116 : memref<1x80x128xi32, #tpu.memory_space<hbm>> -> memref<80x128xi32, #tpu.memory_space<hbm>>
      %dma_wait3A_118 = arith.constant 0 : i32
      %dma_wait3A_119 = arith.constant 0 : i32
      %dma_wait3A_120 = tpu.memref_slice %arg6[%dma_wait3A_118, %dma_wait3A_119] : memref<160x128xi32, #tpu.memory_space<vmem>> -> memref<80x128xi32, #tpu.memory_space<vmem>>
      %dma_wait3A_121 = arith.constant 0 : i32
      %dma_wait3A_122 = arith.constant 0 : i32
      %dma_wait3A_123 = tpu.memref_slice %arg2[%add3A, %dma_wait3A_121, %dma_wait3A_122] : memref<32x80x128xi32, #tpu.memory_space<hbm>> -> memref<1x80x128xi32, #tpu.memory_space<hbm>>
      %dma_wait3A_124 = tpu.memref_squeeze %dma_wait3A_123 : memref<1x80x128xi32, #tpu.memory_space<hbm>> -> memref<80x128xi32, #tpu.memory_space<hbm>>
      tpu.wait_dma2 semaphore(%run_scoped3A : memref<!tpu.dma_semaphore, #tpu.memory_space<semaphore_mem>>) src(%dma_wait3A_124 : memref<80x128xi32, #tpu.memory_space<hbm>>) dst(%dma_wait3A_120 : memref<80x128xi32, #tpu.memory_space<vmem>>)
      tpu.yield
    }) : () -> ()
    "tpu.region"() ({
      %run_scoped3A = tpu.sem_alloc : memref<!tpu.dma_semaphore, #tpu.memory_space<semaphore_mem>>
      %dma_start3A_98 = arith.constant 80 : i32
      %dma_start3A_99 = arith.constant 0 : i32
      %dma_start3A_100 = tpu.memref_slice %arg6[%dma_start3A_98, %dma_start3A_99] : memref<160x128xi32, #tpu.memory_space<vmem>> -> memref<80x128xi32, #tpu.memory_space<vmem>>
      %dma_start3A_101 = arith.constant 0 : i32
      %dma_start3A_102 = arith.constant 0 : i32
      %dma_start3A_103 = tpu.memref_slice %arg3[%add3A, %dma_start3A_101, %dma_start3A_102] : memref<32x80x128xi32, #tpu.memory_space<hbm>> -> memref<1x80x128xi32, #tpu.memory_space<hbm>>
      %dma_start3A_104 = tpu.memref_squeeze %dma_start3A_103 : memref<1x80x128xi32, #tpu.memory_space<hbm>> -> memref<80x128xi32, #tpu.memory_space<hbm>>
      %dma_start3A_105 = arith.constant 80 : i32
      %dma_start3A_106 = arith.constant 0 : i32
      %dma_start3A_107 = tpu.memref_slice %arg6[%dma_start3A_105, %dma_start3A_106] : memref<160x128xi32, #tpu.memory_space<vmem>> -> memref<80x128xi32, #tpu.memory_space<vmem>>
      %dma_start3A_108 = arith.constant 0 : i32
      %dma_start3A_109 = arith.constant 0 : i32
      %dma_start3A_110 = tpu.memref_slice %arg3[%add3A, %dma_start3A_108, %dma_start3A_109] : memref<32x80x128xi32, #tpu.memory_space<hbm>> -> memref<1x80x128xi32, #tpu.memory_space<hbm>>
      %dma_start3A_111 = tpu.memref_squeeze %dma_start3A_110 : memref<1x80x128xi32, #tpu.memory_space<hbm>> -> memref<80x128xi32, #tpu.memory_space<hbm>>
      tpu.enqueue_dma source(%dma_start3A_111 : memref<80x128xi32, #tpu.memory_space<hbm>>) target(%dma_start3A_107 : memref<80x128xi32, #tpu.memory_space<vmem>>) target_semaphore(%run_scoped3A : memref<!tpu.dma_semaphore, #tpu.memory_space<semaphore_mem>>)
      %dma_wait3A = arith.constant 80 : i32
      %dma_wait3A_112 = arith.constant 0 : i32
      %dma_wait3A_113 = tpu.memref_slice %arg6[%dma_wait3A, %dma_wait3A_112] : memref<160x128xi32, #tpu.memory_space<vmem>> -> memref<80x128xi32, #tpu.memory_space<vmem>>
      %dma_wait3A_114 = arith.constant 0 : i32
      %dma_wait3A_115 = arith.constant 0 : i32
      %dma_wait3A_116 = tpu.memref_slice %arg3[%add3A, %dma_wait3A_114, %dma_wait3A_115] : memref<32x80x128xi32, #tpu.memory_space<hbm>> -> memref<1x80x128xi32, #tpu.memory_space<hbm>>
      %dma_wait3A_117 = tpu.memref_squeeze %dma_wait3A_116 : memref<1x80x128xi32, #tpu.memory_space<hbm>> -> memref<80x128xi32, #tpu.memory_space<hbm>>
      %dma_wait3A_118 = arith.constant 80 : i32
      %dma_wait3A_119 = arith.constant 0 : i32
      %dma_wait3A_120 = tpu.memref_slice %arg6[%dma_wait3A_118, %dma_wait3A_119] : memref<160x128xi32, #tpu.memory_space<vmem>> -> memref<80x128xi32, #tpu.memory_space<vmem>>
      %dma_wait3A_121 = arith.constant 0 : i32
      %dma_wait3A_122 = arith.constant 0 : i32
      %dma_wait3A_123 = tpu.memref_slice %arg3[%add3A, %dma_wait3A_121, %dma_wait3A_122] : memref<32x80x128xi32, #tpu.memory_space<hbm>> -> memref<1x80x128xi32, #tpu.memory_space<hbm>>
      %dma_wait3A_124 = tpu.memref_squeeze %dma_wait3A_123 : memref<1x80x128xi32, #tpu.memory_space<hbm>> -> memref<80x128xi32, #tpu.memory_space<hbm>>
      tpu.wait_dma2 semaphore(%run_scoped3A : memref<!tpu.dma_semaphore, #tpu.memory_space<semaphore_mem>>) src(%dma_wait3A_124 : memref<80x128xi32, #tpu.memory_space<hbm>>) dst(%dma_wait3A_120 : memref<80x128xi32, #tpu.memory_space<vmem>>)
      tpu.yield
    }) : () -> ()
    %barrier3A = arith.constant 0 : index
    tpu.barrier barrier_id(%barrier3A)
    %dma_start3A = arith.constant 0 : i32
    %dma_start3A_9 = arith.constant 0 : i32
    %dma_start3A_10 = arith.constant 0 : i32
    %dma_start3A_11 = tpu.memref_slice %arg7[%dma_start3A_9, %dma_start3A_10] : memref<8x128xf32, #tpu.memory_space<vmem>> -> memref<1x128xf32, #tpu.memory_space<vmem>>
    %dma_start3A_12 = tpu.memref_squeeze %dma_start3A_11 : memref<1x128xf32, #tpu.memory_space<vmem>> -> memref<128xf32, #tpu.memory_space<vmem>>
    %dma_start3A_13 = arith.constant 0 : i32
    %dma_start3A_14 = tpu.memref_slice %arg6[%dma_start3A, %dma_start3A_13] : memref<160x128xi32, #tpu.memory_space<vmem>> -> memref<1x128xi32, #tpu.memory_space<vmem>>
    %dma_start3A_15 = tpu.memref_squeeze %dma_start3A_14 : memref<1x128xi32, #tpu.memory_space<vmem>> -> memref<128xi32, #tpu.memory_space<vmem>>
    %dma_start3A_16 = arith.constant 0 : i32
    %dma_start3A_17 = tpu.memref_slice %arg9[%dma_start3A_16] : memref<1015808xf32, #tpu.memory_space<vmem_shared>> -> memref<1015808xf32, #tpu.memory_space<vmem_shared>>
    tpu.enqueue_indirect_dma source(%dma_start3A_17 : memref<1015808xf32, #tpu.memory_space<vmem_shared>>) target(%dma_start3A_12 : memref<128xf32, #tpu.memory_space<vmem>>) offsets(%dma_start3A_15 : memref<128xi32, #tpu.memory_space<vmem>>) semaphore(%arg11 : memref<!tpu.dma_semaphore, #tpu.memory_space<semaphore_mem>>)
    %dma_start3A_18 = arith.constant 1 : i32
    %dma_start3A_19 = arith.constant 1 : i32
    %dma_start3A_20 = arith.constant 0 : i32
    %dma_start3A_21 = tpu.memref_slice %arg7[%dma_start3A_19, %dma_start3A_20] : memref<8x128xf32, #tpu.memory_space<vmem>> -> memref<1x128xf32, #tpu.memory_space<vmem>>
    %dma_start3A_22 = tpu.memref_squeeze %dma_start3A_21 : memref<1x128xf32, #tpu.memory_space<vmem>> -> memref<128xf32, #tpu.memory_space<vmem>>
    %dma_start3A_23 = arith.constant 0 : i32
    %dma_start3A_24 = tpu.memref_slice %arg6[%dma_start3A_18, %dma_start3A_23] : memref<160x128xi32, #tpu.memory_space<vmem>> -> memref<1x128xi32, #tpu.memory_space<vmem>>
    %dma_start3A_25 = tpu.memref_squeeze %dma_start3A_24 : memref<1x128xi32, #tpu.memory_space<vmem>> -> memref<128xi32, #tpu.memory_space<vmem>>
    %dma_start3A_26 = arith.constant 0 : i32
    %dma_start3A_27 = tpu.memref_slice %arg9[%dma_start3A_26] : memref<1015808xf32, #tpu.memory_space<vmem_shared>> -> memref<1015808xf32, #tpu.memory_space<vmem_shared>>
    tpu.enqueue_indirect_dma source(%dma_start3A_27 : memref<1015808xf32, #tpu.memory_space<vmem_shared>>) target(%dma_start3A_22 : memref<128xf32, #tpu.memory_space<vmem>>) offsets(%dma_start3A_25 : memref<128xi32, #tpu.memory_space<vmem>>) semaphore(%arg12 : memref<!tpu.dma_semaphore, #tpu.memory_space<semaphore_mem>>)
    %dma_start3A_28 = arith.constant 2 : i32
    %dma_start3A_29 = arith.constant 2 : i32
    %dma_start3A_30 = arith.constant 0 : i32
    %dma_start3A_31 = tpu.memref_slice %arg7[%dma_start3A_29, %dma_start3A_30] : memref<8x128xf32, #tpu.memory_space<vmem>> -> memref<1x128xf32, #tpu.memory_space<vmem>>
    %dma_start3A_32 = tpu.memref_squeeze %dma_start3A_31 : memref<1x128xf32, #tpu.memory_space<vmem>> -> memref<128xf32, #tpu.memory_space<vmem>>
    %dma_start3A_33 = arith.constant 0 : i32
    %dma_start3A_34 = tpu.memref_slice %arg6[%dma_start3A_28, %dma_start3A_33] : memref<160x128xi32, #tpu.memory_space<vmem>> -> memref<1x128xi32, #tpu.memory_space<vmem>>
    %dma_start3A_35 = tpu.memref_squeeze %dma_start3A_34 : memref<1x128xi32, #tpu.memory_space<vmem>> -> memref<128xi32, #tpu.memory_space<vmem>>
    %dma_start3A_36 = arith.constant 0 : i32
    %dma_start3A_37 = tpu.memref_slice %arg9[%dma_start3A_36] : memref<1015808xf32, #tpu.memory_space<vmem_shared>> -> memref<1015808xf32, #tpu.memory_space<vmem_shared>>
    tpu.enqueue_indirect_dma source(%dma_start3A_37 : memref<1015808xf32, #tpu.memory_space<vmem_shared>>) target(%dma_start3A_32 : memref<128xf32, #tpu.memory_space<vmem>>) offsets(%dma_start3A_35 : memref<128xi32, #tpu.memory_space<vmem>>) semaphore(%arg13 : memref<!tpu.dma_semaphore, #tpu.memory_space<semaphore_mem>>)
    %dma_start3A_38 = arith.constant 3 : i32
    %dma_start3A_39 = arith.constant 3 : i32
    %dma_start3A_40 = arith.constant 0 : i32
    %dma_start3A_41 = tpu.memref_slice %arg7[%dma_start3A_39, %dma_start3A_40] : memref<8x128xf32, #tpu.memory_space<vmem>> -> memref<1x128xf32, #tpu.memory_space<vmem>>
    %dma_start3A_42 = tpu.memref_squeeze %dma_start3A_41 : memref<1x128xf32, #tpu.memory_space<vmem>> -> memref<128xf32, #tpu.memory_space<vmem>>
    %dma_start3A_43 = arith.constant 0 : i32
    %dma_start3A_44 = tpu.memref_slice %arg6[%dma_start3A_38, %dma_start3A_43] : memref<160x128xi32, #tpu.memory_space<vmem>> -> memref<1x128xi32, #tpu.memory_space<vmem>>
    %dma_start3A_45 = tpu.memref_squeeze %dma_start3A_44 : memref<1x128xi32, #tpu.memory_space<vmem>> -> memref<128xi32, #tpu.memory_space<vmem>>
    %dma_start3A_46 = arith.constant 0 : i32
    %dma_start3A_47 = tpu.memref_slice %arg9[%dma_start3A_46] : memref<1015808xf32, #tpu.memory_space<vmem_shared>> -> memref<1015808xf32, #tpu.memory_space<vmem_shared>>
    tpu.enqueue_indirect_dma source(%dma_start3A_47 : memref<1015808xf32, #tpu.memory_space<vmem_shared>>) target(%dma_start3A_42 : memref<128xf32, #tpu.memory_space<vmem>>) offsets(%dma_start3A_45 : memref<128xi32, #tpu.memory_space<vmem>>) semaphore(%arg14 : memref<!tpu.dma_semaphore, #tpu.memory_space<semaphore_mem>>)
    %dma_start3A_48 = arith.constant 4 : i32
    %dma_start3A_49 = arith.constant 4 : i32
    %dma_start3A_50 = arith.constant 0 : i32
    %dma_start3A_51 = tpu.memref_slice %arg7[%dma_start3A_49, %dma_start3A_50] : memref<8x128xf32, #tpu.memory_space<vmem>> -> memref<1x128xf32, #tpu.memory_space<vmem>>
    %dma_start3A_52 = tpu.memref_squeeze %dma_start3A_51 : memref<1x128xf32, #tpu.memory_space<vmem>> -> memref<128xf32, #tpu.memory_space<vmem>>
    %dma_start3A_53 = arith.constant 0 : i32
    %dma_start3A_54 = tpu.memref_slice %arg6[%dma_start3A_48, %dma_start3A_53] : memref<160x128xi32, #tpu.memory_space<vmem>> -> memref<1x128xi32, #tpu.memory_space<vmem>>
    %dma_start3A_55 = tpu.memref_squeeze %dma_start3A_54 : memref<1x128xi32, #tpu.memory_space<vmem>> -> memref<128xi32, #tpu.memory_space<vmem>>
    %dma_start3A_56 = arith.constant 0 : i32
    %dma_start3A_57 = tpu.memref_slice %arg9[%dma_start3A_56] : memref<1015808xf32, #tpu.memory_space<vmem_shared>> -> memref<1015808xf32, #tpu.memory_space<vmem_shared>>
    tpu.enqueue_indirect_dma source(%dma_start3A_57 : memref<1015808xf32, #tpu.memory_space<vmem_shared>>) target(%dma_start3A_52 : memref<128xf32, #tpu.memory_space<vmem>>) offsets(%dma_start3A_55 : memref<128xi32, #tpu.memory_space<vmem>>) semaphore(%arg15 : memref<!tpu.dma_semaphore, #tpu.memory_space<semaphore_mem>>)
    %dma_start3A_58 = arith.constant 5 : i32
    %dma_start3A_59 = arith.constant 5 : i32
    %dma_start3A_60 = arith.constant 0 : i32
    %dma_start3A_61 = tpu.memref_slice %arg7[%dma_start3A_59, %dma_start3A_60] : memref<8x128xf32, #tpu.memory_space<vmem>> -> memref<1x128xf32, #tpu.memory_space<vmem>>
    %dma_start3A_62 = tpu.memref_squeeze %dma_start3A_61 : memref<1x128xf32, #tpu.memory_space<vmem>> -> memref<128xf32, #tpu.memory_space<vmem>>
    %dma_start3A_63 = arith.constant 0 : i32
    %dma_start3A_64 = tpu.memref_slice %arg6[%dma_start3A_58, %dma_start3A_63] : memref<160x128xi32, #tpu.memory_space<vmem>> -> memref<1x128xi32, #tpu.memory_space<vmem>>
    %dma_start3A_65 = tpu.memref_squeeze %dma_start3A_64 : memref<1x128xi32, #tpu.memory_space<vmem>> -> memref<128xi32, #tpu.memory_space<vmem>>
    %dma_start3A_66 = arith.constant 0 : i32
    %dma_start3A_67 = tpu.memref_slice %arg9[%dma_start3A_66] : memref<1015808xf32, #tpu.memory_space<vmem_shared>> -> memref<1015808xf32, #tpu.memory_space<vmem_shared>>
    tpu.enqueue_indirect_dma source(%dma_start3A_67 : memref<1015808xf32, #tpu.memory_space<vmem_shared>>) target(%dma_start3A_62 : memref<128xf32, #tpu.memory_space<vmem>>) offsets(%dma_start3A_65 : memref<128xi32, #tpu.memory_space<vmem>>) semaphore(%arg16 : memref<!tpu.dma_semaphore, #tpu.memory_space<semaphore_mem>>)
    %dma_start3A_68 = arith.constant 6 : i32
    %dma_start3A_69 = arith.constant 6 : i32
    %dma_start3A_70 = arith.constant 0 : i32
    %dma_start3A_71 = tpu.memref_slice %arg7[%dma_start3A_69, %dma_start3A_70] : memref<8x128xf32, #tpu.memory_space<vmem>> -> memref<1x128xf32, #tpu.memory_space<vmem>>
    %dma_start3A_72 = tpu.memref_squeeze %dma_start3A_71 : memref<1x128xf32, #tpu.memory_space<vmem>> -> memref<128xf32, #tpu.memory_space<vmem>>
    %dma_start3A_73 = arith.constant 0 : i32
    %dma_start3A_74 = tpu.memref_slice %arg6[%dma_start3A_68, %dma_start3A_73] : memref<160x128xi32, #tpu.memory_space<vmem>> -> memref<1x128xi32, #tpu.memory_space<vmem>>
    %dma_start3A_75 = tpu.memref_squeeze %dma_start3A_74 : memref<1x128xi32, #tpu.memory_space<vmem>> -> memref<128xi32, #tpu.memory_space<vmem>>
    %dma_start3A_76 = arith.constant 0 : i32
    %dma_start3A_77 = tpu.memref_slice %arg9[%dma_start3A_76] : memref<1015808xf32, #tpu.memory_space<vmem_shared>> -> memref<1015808xf32, #tpu.memory_space<vmem_shared>>
    tpu.enqueue_indirect_dma source(%dma_start3A_77 : memref<1015808xf32, #tpu.memory_space<vmem_shared>>) target(%dma_start3A_72 : memref<128xf32, #tpu.memory_space<vmem>>) offsets(%dma_start3A_75 : memref<128xi32, #tpu.memory_space<vmem>>) semaphore(%arg17 : memref<!tpu.dma_semaphore, #tpu.memory_space<semaphore_mem>>)
    %dma_start3A_78 = arith.constant 7 : i32
    %dma_start3A_79 = arith.constant 7 : i32
    %dma_start3A_80 = arith.constant 0 : i32
    %dma_start3A_81 = tpu.memref_slice %arg7[%dma_start3A_79, %dma_start3A_80] : memref<8x128xf32, #tpu.memory_space<vmem>> -> memref<1x128xf32, #tpu.memory_space<vmem>>
    %dma_start3A_82 = tpu.memref_squeeze %dma_start3A_81 : memref<1x128xf32, #tpu.memory_space<vmem>> -> memref<128xf32, #tpu.memory_space<vmem>>
    %dma_start3A_83 = arith.constant 0 : i32
    %dma_start3A_84 = tpu.memref_slice %arg6[%dma_start3A_78, %dma_start3A_83] : memref<160x128xi32, #tpu.memory_space<vmem>> -> memref<1x128xi32, #tpu.memory_space<vmem>>
    %dma_start3A_85 = tpu.memref_squeeze %dma_start3A_84 : memref<1x128xi32, #tpu.memory_space<vmem>> -> memref<128xi32, #tpu.memory_space<vmem>>
    %dma_start3A_86 = arith.constant 0 : i32
    %dma_start3A_87 = tpu.memref_slice %arg9[%dma_start3A_86] : memref<1015808xf32, #tpu.memory_space<vmem_shared>> -> memref<1015808xf32, #tpu.memory_space<vmem_shared>>
    tpu.enqueue_indirect_dma source(%dma_start3A_87 : memref<1015808xf32, #tpu.memory_space<vmem_shared>>) target(%dma_start3A_82 : memref<128xf32, #tpu.memory_space<vmem>>) offsets(%dma_start3A_85 : memref<128xi32, #tpu.memory_space<vmem>>) semaphore(%arg18 : memref<!tpu.dma_semaphore, #tpu.memory_space<semaphore_mem>>)
    %broadcast_in_dim3A = arith.constant 0.000000e+00 : f32
    %broadcast_in_dim3A_88 = vector.broadcast %broadcast_in_dim3A : f32 to vector<16xf32>
    %scan3A = arith.constant 0 : i32
    %scan3A_89 = arith.constant 20 : i32
    %scan3A_90 = arith.addi %scan3A, %scan3A_89 : i32
    %scan3A_91 = arith.constant 1 : i32
    %scan3A_92:2 = scf.for %scan3A_98 = %scan3A to %scan3A_90 step %scan3A_91 iter_args(%scan3A_99 = %broadcast_in_dim3A_88, %scan3A_100 = %broadcast_in_dim3A_88) -> (vector<16xf32>, vector<16xf32>)  : i32 {
      %mul3A_101 = arith.constant 8 : i32
      %mul3A_102 = arith.muli %scan3A_98, %mul3A_101 : i32
      %add3A_103 = arith.constant 0 : i32
      %add3A_104 = arith.addi %mul3A_102, %add3A_103 : i32
      %dma_wait3A = arith.constant 0 : i32
      %dma_wait3A_105 = arith.constant 0 : i32
      %dma_wait3A_106 = tpu.memref_slice %arg7[%dma_wait3A, %dma_wait3A_105] : memref<8x128xf32, #tpu.memory_space<vmem>> -> memref<1x128xf32, #tpu.memory_space<vmem>>
      %dma_wait3A_107 = tpu.memref_squeeze %dma_wait3A_106 : memref<1x128xf32, #tpu.memory_space<vmem>> -> memref<128xf32, #tpu.memory_space<vmem>>
      %dma_wait3A_108 = arith.constant 0 : i32
      %dma_wait3A_109 = tpu.memref_slice %arg6[%add3A_104, %dma_wait3A_108] : memref<160x128xi32, #tpu.memory_space<vmem>> -> memref<1x128xi32, #tpu.memory_space<vmem>>
      %dma_wait3A_110 = tpu.memref_squeeze %dma_wait3A_109 : memref<1x128xi32, #tpu.memory_space<vmem>> -> memref<128xi32, #tpu.memory_space<vmem>>
      %dma_wait3A_111 = arith.constant 0 : i32
      %dma_wait3A_112 = tpu.memref_slice %arg9[%dma_wait3A_111] : memref<1015808xf32, #tpu.memory_space<vmem_shared>> -> memref<1015808xf32, #tpu.memory_space<vmem_shared>>
      tpu.wait_indirect_dma semaphore(%arg11 : memref<!tpu.dma_semaphore, #tpu.memory_space<semaphore_mem>>) src(%dma_wait3A_112 : memref<1015808xf32, #tpu.memory_space<vmem_shared>>) dst(%dma_wait3A_107 : memref<128xf32, #tpu.memory_space<vmem>>)
      %get3A = arith.constant 0 : i32
      %get3A_113 = arith.index_cast %get3A : i32 to index
      %get3A_114 = arith.constant 0 : index
      %get3A_115 = tpu.vector_load %arg7[%get3A_113, %get3A_114] {strides = array<i32>} : memref<8x128xf32, #tpu.memory_space<vmem>>, vector<1x16xf32>,
      %get3A_116 = vector.shape_cast %get3A_115 : vector<1x16xf32> to vector<16xf32>
      %add3A_117 = arith.addf %scan3A_99, %get3A_116 : vector<16xf32>
      %get3A_118 = arith.constant 0 : i32
      %get3A_119 = arith.index_cast %get3A_118 : i32 to index
      %get3A_120 = arith.constant 32 : index
      %get3A_121 = tpu.vector_load %arg7[%get3A_119, %get3A_120] {strides = array<i32>} : memref<8x128xf32, #tpu.memory_space<vmem>>, vector<1x16xf32>,
      %get3A_122 = vector.shape_cast %get3A_121 : vector<1x16xf32> to vector<16xf32>
      %add3A_123 = arith.addf %add3A_117, %get3A_122 : vector<16xf32>
      %get3A_124 = arith.constant 0 : i32
      %get3A_125 = arith.index_cast %get3A_124 : i32 to index
      %get3A_126 = arith.constant 64 : index
      %get3A_127 = tpu.vector_load %arg7[%get3A_125, %get3A_126] {strides = array<i32>} : memref<8x128xf32, #tpu.memory_space<vmem>>, vector<1x16xf32>,
      %get3A_128 = vector.shape_cast %get3A_127 : vector<1x16xf32> to vector<16xf32>
      %add3A_129 = arith.addf %add3A_123, %get3A_128 : vector<16xf32>
      %get3A_130 = arith.constant 0 : i32
      %get3A_131 = arith.index_cast %get3A_130 : i32 to index
      %get3A_132 = arith.constant 96 : index
      %get3A_133 = tpu.vector_load %arg7[%get3A_131, %get3A_132] {strides = array<i32>} : memref<8x128xf32, #tpu.memory_space<vmem>>, vector<1x16xf32>,
      %get3A_134 = vector.shape_cast %get3A_133 : vector<1x16xf32> to vector<16xf32>
      %add3A_135 = arith.addf %add3A_129, %get3A_134 : vector<16xf32>
      %get3A_136 = arith.constant 0 : i32
      %get3A_137 = arith.index_cast %get3A_136 : i32 to index
      %get3A_138 = arith.constant 16 : index
      %get3A_139 = tpu.vector_load %arg7[%get3A_137, %get3A_138] {strides = array<i32>} : memref<8x128xf32, #tpu.memory_space<vmem>>, vector<1x16xf32>,
      %get3A_140 = vector.shape_cast %get3A_139 : vector<1x16xf32> to vector<16xf32>
      %add3A_141 = arith.addf %scan3A_100, %get3A_140 : vector<16xf32>
      %get3A_142 = arith.constant 0 : i32
      %get3A_143 = arith.index_cast %get3A_142 : i32 to index
      %get3A_144 = arith.constant 48 : index
      %get3A_145 = tpu.vector_load %arg7[%get3A_143, %get3A_144] {strides = array<i32>} : memref<8x128xf32, #tpu.memory_space<vmem>>, vector<1x16xf32>,
      %get3A_146 = vector.shape_cast %get3A_145 : vector<1x16xf32> to vector<16xf32>
      %add3A_147 = arith.addf %add3A_141, %get3A_146 : vector<16xf32>
      %get3A_148 = arith.constant 0 : i32
      %get3A_149 = arith.index_cast %get3A_148 : i32 to index
      %get3A_150 = arith.constant 80 : index
      %get3A_151 = tpu.vector_load %arg7[%get3A_149, %get3A_150] {strides = array<i32>} : memref<8x128xf32, #tpu.memory_space<vmem>>, vector<1x16xf32>,
      %get3A_152 = vector.shape_cast %get3A_151 : vector<1x16xf32> to vector<16xf32>
      %add3A_153 = arith.addf %add3A_147, %get3A_152 : vector<16xf32>
      %get3A_154 = arith.constant 0 : i32
      %get3A_155 = arith.index_cast %get3A_154 : i32 to index
      %get3A_156 = arith.constant 112 : index
      %get3A_157 = tpu.vector_load %arg7[%get3A_155, %get3A_156] {strides = array<i32>} : memref<8x128xf32, #tpu.memory_space<vmem>>, vector<1x16xf32>,
      %get3A_158 = vector.shape_cast %get3A_157 : vector<1x16xf32> to vector<16xf32>
      %add3A_159 = arith.addf %add3A_153, %get3A_158 : vector<16xf32>
      %lt3A = arith.constant 19 : i32
      %lt3A_160 = arith.cmpi slt, %scan3A_98, %lt3A : i32
      %convert_element_type3A = arith.extui %lt3A_160 : i1 to i32
      %cond3A = arith.constant 0 : i32
      %cond3A_161 = arith.cmpi ne, %convert_element_type3A, %cond3A : i32
      scf.if %cond3A_161 {
        %add3A_610 = arith.constant 8 : i32
        %add3A_611 = arith.addi %mul3A_102, %add3A_610 : i32
        %add3A_612 = arith.constant 0 : i32
        %add3A_613 = arith.addi %add3A_611, %add3A_612 : i32
        %dma_start3A_614 = arith.constant 0 : i32
        %dma_start3A_615 = arith.constant 0 : i32
        %dma_start3A_616 = tpu.memref_slice %arg7[%dma_start3A_614, %dma_start3A_615] : memref<8x128xf32, #tpu.memory_space<vmem>> -> memref<1x128xf32, #tpu.memory_space<vmem>>
        %dma_start3A_617 = tpu.memref_squeeze %dma_start3A_616 : memref<1x128xf32, #tpu.memory_space<vmem>> -> memref<128xf32, #tpu.memory_space<vmem>>
        %dma_start3A_618 = arith.constant 0 : i32
        %dma_start3A_619 = tpu.memref_slice %arg6[%add3A_613, %dma_start3A_618] : memref<160x128xi32, #tpu.memory_space<vmem>> -> memref<1x128xi32, #tpu.memory_space<vmem>>
        %dma_start3A_620 = tpu.memref_squeeze %dma_start3A_619 : memref<1x128xi32, #tpu.memory_space<vmem>> -> memref<128xi32, #tpu.memory_space<vmem>>
        %dma_start3A_621 = arith.constant 0 : i32
        %dma_start3A_622 = tpu.memref_slice %arg9[%dma_start3A_621] : memref<1015808xf32, #tpu.memory_space<vmem_shared>> -> memref<1015808xf32, #tpu.memory_space<vmem_shared>>
        tpu.enqueue_indirect_dma source(%dma_start3A_622 : memref<1015808xf32, #tpu.memory_space<vmem_shared>>) target(%dma_start3A_617 : memref<128xf32, #tpu.memory_space<vmem>>) offsets(%dma_start3A_620 : memref<128xi32, #tpu.memory_space<vmem>>) semaphore(%arg11 : memref<!tpu.dma_semaphore, #tpu.memory_space<semaphore_mem>>)
      } else {
      }
      %add3A_162 = arith.constant 1 : i32
      %add3A_163 = arith.addi %mul3A_102, %add3A_162 : i32
      %dma_wait3A_164 = arith.constant 1 : i32
      %dma_wait3A_165 = arith.constant 0 : i32
      %dma_wait3A_166 = tpu.memref_slice %arg7[%dma_wait3A_164, %dma_wait3A_165] : memref<8x128xf32, #tpu.memory_space<vmem>> -> memref<1x128xf32, #tpu.memory_space<vmem>>
      %dma_wait3A_167 = tpu.memref_squeeze %dma_wait3A_166 : memref<1x128xf32, #tpu.memory_space<vmem>> -> memref<128xf32, #tpu.memory_space<vmem>>
      %dma_wait3A_168 = arith.constant 0 : i32
      %dma_wait3A_169 = tpu.memref_slice %arg6[%add3A_163, %dma_wait3A_168] : memref<160x128xi32, #tpu.memory_space<vmem>> -> memref<1x128xi32, #tpu.memory_space<vmem>>
      %dma_wait3A_170 = tpu.memref_squeeze %dma_wait3A_169 : memref<1x128xi32, #tpu.memory_space<vmem>> -> memref<128xi32, #tpu.memory_space<vmem>>
      %dma_wait3A_171 = arith.constant 0 : i32
      %dma_wait3A_172 = tpu.memref_slice %arg9[%dma_wait3A_171] : memref<1015808xf32, #tpu.memory_space<vmem_shared>> -> memref<1015808xf32, #tpu.memory_space<vmem_shared>>
      tpu.wait_indirect_dma semaphore(%arg12 : memref<!tpu.dma_semaphore, #tpu.memory_space<semaphore_mem>>) src(%dma_wait3A_172 : memref<1015808xf32, #tpu.memory_space<vmem_shared>>) dst(%dma_wait3A_167 : memref<128xf32, #tpu.memory_space<vmem>>)
      %get3A_173 = arith.constant 1 : i32
      %get3A_174 = arith.index_cast %get3A_173 : i32 to index
      %get3A_175 = arith.constant 0 : index
      %get3A_176 = tpu.vector_load %arg7[%get3A_174, %get3A_175] {strides = array<i32>} : memref<8x128xf32, #tpu.memory_space<vmem>>, vector<1x16xf32>,
      %get3A_177 = vector.shape_cast %get3A_176 : vector<1x16xf32> to vector<16xf32>
      %add3A_178 = arith.addf %add3A_135, %get3A_177 : vector<16xf32>
      %get3A_179 = arith.constant 1 : i32
      %get3A_180 = arith.index_cast %get3A_179 : i32 to index
      %get3A_181 = arith.constant 32 : index
      %get3A_182 = tpu.vector_load %arg7[%get3A_180, %get3A_181] {strides = array<i32>} : memref<8x128xf32, #tpu.memory_space<vmem>>, vector<1x16xf32>,
      %get3A_183 = vector.shape_cast %get3A_182 : vector<1x16xf32> to vector<16xf32>
      %add3A_184 = arith.addf %add3A_178, %get3A_183 : vector<16xf32>
      %get3A_185 = arith.constant 1 : i32
      %get3A_186 = arith.index_cast %get3A_185 : i32 to index
      %get3A_187 = arith.constant 64 : index
      %get3A_188 = tpu.vector_load %arg7[%get3A_186, %get3A_187] {strides = array<i32>} : memref<8x128xf32, #tpu.memory_space<vmem>>, vector<1x16xf32>,
      %get3A_189 = vector.shape_cast %get3A_188 : vector<1x16xf32> to vector<16xf32>
      %add3A_190 = arith.addf %add3A_184, %get3A_189 : vector<16xf32>
      %get3A_191 = arith.constant 1 : i32
      %get3A_192 = arith.index_cast %get3A_191 : i32 to index
      %get3A_193 = arith.constant 96 : index
      %get3A_194 = tpu.vector_load %arg7[%get3A_192, %get3A_193] {strides = array<i32>} : memref<8x128xf32, #tpu.memory_space<vmem>>, vector<1x16xf32>,
      %get3A_195 = vector.shape_cast %get3A_194 : vector<1x16xf32> to vector<16xf32>
      %add3A_196 = arith.addf %add3A_190, %get3A_195 : vector<16xf32>
      %get3A_197 = arith.constant 1 : i32
      %get3A_198 = arith.index_cast %get3A_197 : i32 to index
      %get3A_199 = arith.constant 16 : index
      %get3A_200 = tpu.vector_load %arg7[%get3A_198, %get3A_199] {strides = array<i32>} : memref<8x128xf32, #tpu.memory_space<vmem>>, vector<1x16xf32>,
      %get3A_201 = vector.shape_cast %get3A_200 : vector<1x16xf32> to vector<16xf32>
      %add3A_202 = arith.addf %add3A_159, %get3A_201 : vector<16xf32>
      %get3A_203 = arith.constant 1 : i32
      %get3A_204 = arith.index_cast %get3A_203 : i32 to index
      %get3A_205 = arith.constant 48 : index
      %get3A_206 = tpu.vector_load %arg7[%get3A_204, %get3A_205] {strides = array<i32>} : memref<8x128xf32, #tpu.memory_space<vmem>>, vector<1x16xf32>,
      %get3A_207 = vector.shape_cast %get3A_206 : vector<1x16xf32> to vector<16xf32>
      %add3A_208 = arith.addf %add3A_202, %get3A_207 : vector<16xf32>
      %get3A_209 = arith.constant 1 : i32
      %get3A_210 = arith.index_cast %get3A_209 : i32 to index
      %get3A_211 = arith.constant 80 : index
      %get3A_212 = tpu.vector_load %arg7[%get3A_210, %get3A_211] {strides = array<i32>} : memref<8x128xf32, #tpu.memory_space<vmem>>, vector<1x16xf32>,
      %get3A_213 = vector.shape_cast %get3A_212 : vector<1x16xf32> to vector<16xf32>
      %add3A_214 = arith.addf %add3A_208, %get3A_213 : vector<16xf32>
      %get3A_215 = arith.constant 1 : i32
      %get3A_216 = arith.index_cast %get3A_215 : i32 to index
      %get3A_217 = arith.constant 112 : index
      %get3A_218 = tpu.vector_load %arg7[%get3A_216, %get3A_217] {strides = array<i32>} : memref<8x128xf32, #tpu.memory_space<vmem>>, vector<1x16xf32>,
      %get3A_219 = vector.shape_cast %get3A_218 : vector<1x16xf32> to vector<16xf32>
      %add3A_220 = arith.addf %add3A_214, %get3A_219 : vector<16xf32>
      %lt3A_221 = arith.constant 19 : i32
      %lt3A_222 = arith.cmpi slt, %scan3A_98, %lt3A_221 : i32
      %convert_element_type3A_223 = arith.extui %lt3A_222 : i1 to i32
      %cond3A_224 = arith.constant 0 : i32
      %cond3A_225 = arith.cmpi ne, %convert_element_type3A_223, %cond3A_224 : i32
      scf.if %cond3A_225 {
        %add3A_610 = arith.constant 8 : i32
        %add3A_611 = arith.addi %mul3A_102, %add3A_610 : i32
        %add3A_612 = arith.constant 1 : i32
        %add3A_613 = arith.addi %add3A_611, %add3A_612 : i32
        %dma_start3A_614 = arith.constant 1 : i32
        %dma_start3A_615 = arith.constant 0 : i32
        %dma_start3A_616 = tpu.memref_slice %arg7[%dma_start3A_614, %dma_start3A_615] : memref<8x128xf32, #tpu.memory_space<vmem>> -> memref<1x128xf32, #tpu.memory_space<vmem>>
        %dma_start3A_617 = tpu.memref_squeeze %dma_start3A_616 : memref<1x128xf32, #tpu.memory_space<vmem>> -> memref<128xf32, #tpu.memory_space<vmem>>
        %dma_start3A_618 = arith.constant 0 : i32
        %dma_start3A_619 = tpu.memref_slice %arg6[%add3A_613, %dma_start3A_618] : memref<160x128xi32, #tpu.memory_space<vmem>> -> memref<1x128xi32, #tpu.memory_space<vmem>>
        %dma_start3A_620 = tpu.memref_squeeze %dma_start3A_619 : memref<1x128xi32, #tpu.memory_space<vmem>> -> memref<128xi32, #tpu.memory_space<vmem>>
        %dma_start3A_621 = arith.constant 0 : i32
        %dma_start3A_622 = tpu.memref_slice %arg9[%dma_start3A_621] : memref<1015808xf32, #tpu.memory_space<vmem_shared>> -> memref<1015808xf32, #tpu.memory_space<vmem_shared>>
        tpu.enqueue_indirect_dma source(%dma_start3A_622 : memref<1015808xf32, #tpu.memory_space<vmem_shared>>) target(%dma_start3A_617 : memref<128xf32, #tpu.memory_space<vmem>>) offsets(%dma_start3A_620 : memref<128xi32, #tpu.memory_space<vmem>>) semaphore(%arg12 : memref<!tpu.dma_semaphore, #tpu.memory_space<semaphore_mem>>)
      } else {
      }
      %add3A_226 = arith.constant 2 : i32
      %add3A_227 = arith.addi %mul3A_102, %add3A_226 : i32
      %dma_wait3A_228 = arith.constant 2 : i32
      %dma_wait3A_229 = arith.constant 0 : i32
      %dma_wait3A_230 = tpu.memref_slice %arg7[%dma_wait3A_228, %dma_wait3A_229] : memref<8x128xf32, #tpu.memory_space<vmem>> -> memref<1x128xf32, #tpu.memory_space<vmem>>
      %dma_wait3A_231 = tpu.memref_squeeze %dma_wait3A_230 : memref<1x128xf32, #tpu.memory_space<vmem>> -> memref<128xf32, #tpu.memory_space<vmem>>
      %dma_wait3A_232 = arith.constant 0 : i32
      %dma_wait3A_233 = tpu.memref_slice %arg6[%add3A_227, %dma_wait3A_232] : memref<160x128xi32, #tpu.memory_space<vmem>> -> memref<1x128xi32, #tpu.memory_space<vmem>>
      %dma_wait3A_234 = tpu.memref_squeeze %dma_wait3A_233 : memref<1x128xi32, #tpu.memory_space<vmem>> -> memref<128xi32, #tpu.memory_space<vmem>>
      %dma_wait3A_235 = arith.constant 0 : i32
      %dma_wait3A_236 = tpu.memref_slice %arg9[%dma_wait3A_235] : memref<1015808xf32, #tpu.memory_space<vmem_shared>> -> memref<1015808xf32, #tpu.memory_space<vmem_shared>>
      tpu.wait_indirect_dma semaphore(%arg13 : memref<!tpu.dma_semaphore, #tpu.memory_space<semaphore_mem>>) src(%dma_wait3A_236 : memref<1015808xf32, #tpu.memory_space<vmem_shared>>) dst(%dma_wait3A_231 : memref<128xf32, #tpu.memory_space<vmem>>)
      %get3A_237 = arith.constant 2 : i32
      %get3A_238 = arith.index_cast %get3A_237 : i32 to index
      %get3A_239 = arith.constant 0 : index
      %get3A_240 = tpu.vector_load %arg7[%get3A_238, %get3A_239] {strides = array<i32>} : memref<8x128xf32, #tpu.memory_space<vmem>>, vector<1x16xf32>,
      %get3A_241 = vector.shape_cast %get3A_240 : vector<1x16xf32> to vector<16xf32>
      %add3A_242 = arith.addf %add3A_196, %get3A_241 : vector<16xf32>
      %get3A_243 = arith.constant 2 : i32
      %get3A_244 = arith.index_cast %get3A_243 : i32 to index
      %get3A_245 = arith.constant 32 : index
      %get3A_246 = tpu.vector_load %arg7[%get3A_244, %get3A_245] {strides = array<i32>} : memref<8x128xf32, #tpu.memory_space<vmem>>, vector<1x16xf32>,
      %get3A_247 = vector.shape_cast %get3A_246 : vector<1x16xf32> to vector<16xf32>
      %add3A_248 = arith.addf %add3A_242, %get3A_247 : vector<16xf32>
      %get3A_249 = arith.constant 2 : i32
      %get3A_250 = arith.index_cast %get3A_249 : i32 to index
      %get3A_251 = arith.constant 64 : index
      %get3A_252 = tpu.vector_load %arg7[%get3A_250, %get3A_251] {strides = array<i32>} : memref<8x128xf32, #tpu.memory_space<vmem>>, vector<1x16xf32>,
      %get3A_253 = vector.shape_cast %get3A_252 : vector<1x16xf32> to vector<16xf32>
      %add3A_254 = arith.addf %add3A_248, %get3A_253 : vector<16xf32>
      %get3A_255 = arith.constant 2 : i32
      %get3A_256 = arith.index_cast %get3A_255 : i32 to index
      %get3A_257 = arith.constant 96 : index
      %get3A_258 = tpu.vector_load %arg7[%get3A_256, %get3A_257] {strides = array<i32>} : memref<8x128xf32, #tpu.memory_space<vmem>>, vector<1x16xf32>,
      %get3A_259 = vector.shape_cast %get3A_258 : vector<1x16xf32> to vector<16xf32>
      %add3A_260 = arith.addf %add3A_254, %get3A_259 : vector<16xf32>
      %get3A_261 = arith.constant 2 : i32
      %get3A_262 = arith.index_cast %get3A_261 : i32 to index
      %get3A_263 = arith.constant 16 : index
      %get3A_264 = tpu.vector_load %arg7[%get3A_262, %get3A_263] {strides = array<i32>} : memref<8x128xf32, #tpu.memory_space<vmem>>, vector<1x16xf32>,
      %get3A_265 = vector.shape_cast %get3A_264 : vector<1x16xf32> to vector<16xf32>
      %add3A_266 = arith.addf %add3A_220, %get3A_265 : vector<16xf32>
      %get3A_267 = arith.constant 2 : i32
      %get3A_268 = arith.index_cast %get3A_267 : i32 to index
      %get3A_269 = arith.constant 48 : index
      %get3A_270 = tpu.vector_load %arg7[%get3A_268, %get3A_269] {strides = array<i32>} : memref<8x128xf32, #tpu.memory_space<vmem>>, vector<1x16xf32>,
      %get3A_271 = vector.shape_cast %get3A_270 : vector<1x16xf32> to vector<16xf32>
      %add3A_272 = arith.addf %add3A_266, %get3A_271 : vector<16xf32>
      %get3A_273 = arith.constant 2 : i32
      %get3A_274 = arith.index_cast %get3A_273 : i32 to index
      %get3A_275 = arith.constant 80 : index
      %get3A_276 = tpu.vector_load %arg7[%get3A_274, %get3A_275] {strides = array<i32>} : memref<8x128xf32, #tpu.memory_space<vmem>>, vector<1x16xf32>,
      %get3A_277 = vector.shape_cast %get3A_276 : vector<1x16xf32> to vector<16xf32>
      %add3A_278 = arith.addf %add3A_272, %get3A_277 : vector<16xf32>
      %get3A_279 = arith.constant 2 : i32
      %get3A_280 = arith.index_cast %get3A_279 : i32 to index
      %get3A_281 = arith.constant 112 : index
      %get3A_282 = tpu.vector_load %arg7[%get3A_280, %get3A_281] {strides = array<i32>} : memref<8x128xf32, #tpu.memory_space<vmem>>, vector<1x16xf32>,
      %get3A_283 = vector.shape_cast %get3A_282 : vector<1x16xf32> to vector<16xf32>
      %add3A_284 = arith.addf %add3A_278, %get3A_283 : vector<16xf32>
      %lt3A_285 = arith.constant 19 : i32
      %lt3A_286 = arith.cmpi slt, %scan3A_98, %lt3A_285 : i32
      %convert_element_type3A_287 = arith.extui %lt3A_286 : i1 to i32
      %cond3A_288 = arith.constant 0 : i32
      %cond3A_289 = arith.cmpi ne, %convert_element_type3A_287, %cond3A_288 : i32
      scf.if %cond3A_289 {
        %add3A_610 = arith.constant 8 : i32
        %add3A_611 = arith.addi %mul3A_102, %add3A_610 : i32
        %add3A_612 = arith.constant 2 : i32
        %add3A_613 = arith.addi %add3A_611, %add3A_612 : i32
        %dma_start3A_614 = arith.constant 2 : i32
        %dma_start3A_615 = arith.constant 0 : i32
        %dma_start3A_616 = tpu.memref_slice %arg7[%dma_start3A_614, %dma_start3A_615] : memref<8x128xf32, #tpu.memory_space<vmem>> -> memref<1x128xf32, #tpu.memory_space<vmem>>
        %dma_start3A_617 = tpu.memref_squeeze %dma_start3A_616 : memref<1x128xf32, #tpu.memory_space<vmem>> -> memref<128xf32, #tpu.memory_space<vmem>>
        %dma_start3A_618 = arith.constant 0 : i32
        %dma_start3A_619 = tpu.memref_slice %arg6[%add3A_613, %dma_start3A_618] : memref<160x128xi32, #tpu.memory_space<vmem>> -> memref<1x128xi32, #tpu.memory_space<vmem>>
        %dma_start3A_620 = tpu.memref_squeeze %dma_start3A_619 : memref<1x128xi32, #tpu.memory_space<vmem>> -> memref<128xi32, #tpu.memory_space<vmem>>
        %dma_start3A_621 = arith.constant 0 : i32
        %dma_start3A_622 = tpu.memref_slice %arg9[%dma_start3A_621] : memref<1015808xf32, #tpu.memory_space<vmem_shared>> -> memref<1015808xf32, #tpu.memory_space<vmem_shared>>
        tpu.enqueue_indirect_dma source(%dma_start3A_622 : memref<1015808xf32, #tpu.memory_space<vmem_shared>>) target(%dma_start3A_617 : memref<128xf32, #tpu.memory_space<vmem>>) offsets(%dma_start3A_620 : memref<128xi32, #tpu.memory_space<vmem>>) semaphore(%arg13 : memref<!tpu.dma_semaphore, #tpu.memory_space<semaphore_mem>>)
      } else {
      }
      %add3A_290 = arith.constant 3 : i32
      %add3A_291 = arith.addi %mul3A_102, %add3A_290 : i32
      %dma_wait3A_292 = arith.constant 3 : i32
      %dma_wait3A_293 = arith.constant 0 : i32
      %dma_wait3A_294 = tpu.memref_slice %arg7[%dma_wait3A_292, %dma_wait3A_293] : memref<8x128xf32, #tpu.memory_space<vmem>> -> memref<1x128xf32, #tpu.memory_space<vmem>>
      %dma_wait3A_295 = tpu.memref_squeeze %dma_wait3A_294 : memref<1x128xf32, #tpu.memory_space<vmem>> -> memref<128xf32, #tpu.memory_space<vmem>>
      %dma_wait3A_296 = arith.constant 0 : i32
      %dma_wait3A_297 = tpu.memref_slice %arg6[%add3A_291, %dma_wait3A_296] : memref<160x128xi32, #tpu.memory_space<vmem>> -> memref<1x128xi32, #tpu.memory_space<vmem>>
      %dma_wait3A_298 = tpu.memref_squeeze %dma_wait3A_297 : memref<1x128xi32, #tpu.memory_space<vmem>> -> memref<128xi32, #tpu.memory_space<vmem>>
      %dma_wait3A_299 = arith.constant 0 : i32
      %dma_wait3A_300 = tpu.memref_slice %arg9[%dma_wait3A_299] : memref<1015808xf32, #tpu.memory_space<vmem_shared>> -> memref<1015808xf32, #tpu.memory_space<vmem_shared>>
      tpu.wait_indirect_dma semaphore(%arg14 : memref<!tpu.dma_semaphore, #tpu.memory_space<semaphore_mem>>) src(%dma_wait3A_300 : memref<1015808xf32, #tpu.memory_space<vmem_shared>>) dst(%dma_wait3A_295 : memref<128xf32, #tpu.memory_space<vmem>>)
      %get3A_301 = arith.constant 3 : i32
      %get3A_302 = arith.index_cast %get3A_301 : i32 to index
      %get3A_303 = arith.constant 0 : index
      %get3A_304 = tpu.vector_load %arg7[%get3A_302, %get3A_303] {strides = array<i32>} : memref<8x128xf32, #tpu.memory_space<vmem>>, vector<1x16xf32>,
      %get3A_305 = vector.shape_cast %get3A_304 : vector<1x16xf32> to vector<16xf32>
      %add3A_306 = arith.addf %add3A_260, %get3A_305 : vector<16xf32>
      %get3A_307 = arith.constant 3 : i32
      %get3A_308 = arith.index_cast %get3A_307 : i32 to index
      %get3A_309 = arith.constant 32 : index
      %get3A_310 = tpu.vector_load %arg7[%get3A_308, %get3A_309] {strides = array<i32>} : memref<8x128xf32, #tpu.memory_space<vmem>>, vector<1x16xf32>,
      %get3A_311 = vector.shape_cast %get3A_310 : vector<1x16xf32> to vector<16xf32>
      %add3A_312 = arith.addf %add3A_306, %get3A_311 : vector<16xf32>
      %get3A_313 = arith.constant 3 : i32
      %get3A_314 = arith.index_cast %get3A_313 : i32 to index
      %get3A_315 = arith.constant 64 : index
      %get3A_316 = tpu.vector_load %arg7[%get3A_314, %get3A_315] {strides = array<i32>} : memref<8x128xf32, #tpu.memory_space<vmem>>, vector<1x16xf32>,
      %get3A_317 = vector.shape_cast %get3A_316 : vector<1x16xf32> to vector<16xf32>
      %add3A_318 = arith.addf %add3A_312, %get3A_317 : vector<16xf32>
      %get3A_319 = arith.constant 3 : i32
      %get3A_320 = arith.index_cast %get3A_319 : i32 to index
      %get3A_321 = arith.constant 96 : index
      %get3A_322 = tpu.vector_load %arg7[%get3A_320, %get3A_321] {strides = array<i32>} : memref<8x128xf32, #tpu.memory_space<vmem>>, vector<1x16xf32>,
      %get3A_323 = vector.shape_cast %get3A_322 : vector<1x16xf32> to vector<16xf32>
      %add3A_324 = arith.addf %add3A_318, %get3A_323 : vector<16xf32>
      %get3A_325 = arith.constant 3 : i32
      %get3A_326 = arith.index_cast %get3A_325 : i32 to index
      %get3A_327 = arith.constant 16 : index
      %get3A_328 = tpu.vector_load %arg7[%get3A_326, %get3A_327] {strides = array<i32>} : memref<8x128xf32, #tpu.memory_space<vmem>>, vector<1x16xf32>,
      %get3A_329 = vector.shape_cast %get3A_328 : vector<1x16xf32> to vector<16xf32>
      %add3A_330 = arith.addf %add3A_284, %get3A_329 : vector<16xf32>
      %get3A_331 = arith.constant 3 : i32
      %get3A_332 = arith.index_cast %get3A_331 : i32 to index
      %get3A_333 = arith.constant 48 : index
      %get3A_334 = tpu.vector_load %arg7[%get3A_332, %get3A_333] {strides = array<i32>} : memref<8x128xf32, #tpu.memory_space<vmem>>, vector<1x16xf32>,
      %get3A_335 = vector.shape_cast %get3A_334 : vector<1x16xf32> to vector<16xf32>
      %add3A_336 = arith.addf %add3A_330, %get3A_335 : vector<16xf32>
      %get3A_337 = arith.constant 3 : i32
      %get3A_338 = arith.index_cast %get3A_337 : i32 to index
      %get3A_339 = arith.constant 80 : index
      %get3A_340 = tpu.vector_load %arg7[%get3A_338, %get3A_339] {strides = array<i32>} : memref<8x128xf32, #tpu.memory_space<vmem>>, vector<1x16xf32>,
      %get3A_341 = vector.shape_cast %get3A_340 : vector<1x16xf32> to vector<16xf32>
      %add3A_342 = arith.addf %add3A_336, %get3A_341 : vector<16xf32>
      %get3A_343 = arith.constant 3 : i32
      %get3A_344 = arith.index_cast %get3A_343 : i32 to index
      %get3A_345 = arith.constant 112 : index
      %get3A_346 = tpu.vector_load %arg7[%get3A_344, %get3A_345] {strides = array<i32>} : memref<8x128xf32, #tpu.memory_space<vmem>>, vector<1x16xf32>,
      %get3A_347 = vector.shape_cast %get3A_346 : vector<1x16xf32> to vector<16xf32>
      %add3A_348 = arith.addf %add3A_342, %get3A_347 : vector<16xf32>
      %lt3A_349 = arith.constant 19 : i32
      %lt3A_350 = arith.cmpi slt, %scan3A_98, %lt3A_349 : i32
      %convert_element_type3A_351 = arith.extui %lt3A_350 : i1 to i32
      %cond3A_352 = arith.constant 0 : i32
      %cond3A_353 = arith.cmpi ne, %convert_element_type3A_351, %cond3A_352 : i32
      scf.if %cond3A_353 {
        %add3A_610 = arith.constant 8 : i32
        %add3A_611 = arith.addi %mul3A_102, %add3A_610 : i32
        %add3A_612 = arith.constant 3 : i32
        %add3A_613 = arith.addi %add3A_611, %add3A_612 : i32
        %dma_start3A_614 = arith.constant 3 : i32
        %dma_start3A_615 = arith.constant 0 : i32
        %dma_start3A_616 = tpu.memref_slice %arg7[%dma_start3A_614, %dma_start3A_615] : memref<8x128xf32, #tpu.memory_space<vmem>> -> memref<1x128xf32, #tpu.memory_space<vmem>>
        %dma_start3A_617 = tpu.memref_squeeze %dma_start3A_616 : memref<1x128xf32, #tpu.memory_space<vmem>> -> memref<128xf32, #tpu.memory_space<vmem>>
        %dma_start3A_618 = arith.constant 0 : i32
        %dma_start3A_619 = tpu.memref_slice %arg6[%add3A_613, %dma_start3A_618] : memref<160x128xi32, #tpu.memory_space<vmem>> -> memref<1x128xi32, #tpu.memory_space<vmem>>
        %dma_start3A_620 = tpu.memref_squeeze %dma_start3A_619 : memref<1x128xi32, #tpu.memory_space<vmem>> -> memref<128xi32, #tpu.memory_space<vmem>>
        %dma_start3A_621 = arith.constant 0 : i32
        %dma_start3A_622 = tpu.memref_slice %arg9[%dma_start3A_621] : memref<1015808xf32, #tpu.memory_space<vmem_shared>> -> memref<1015808xf32, #tpu.memory_space<vmem_shared>>
        tpu.enqueue_indirect_dma source(%dma_start3A_622 : memref<1015808xf32, #tpu.memory_space<vmem_shared>>) target(%dma_start3A_617 : memref<128xf32, #tpu.memory_space<vmem>>) offsets(%dma_start3A_620 : memref<128xi32, #tpu.memory_space<vmem>>) semaphore(%arg14 : memref<!tpu.dma_semaphore, #tpu.memory_space<semaphore_mem>>)
      } else {
      }
      %add3A_354 = arith.constant 4 : i32
      %add3A_355 = arith.addi %mul3A_102, %add3A_354 : i32
      %dma_wait3A_356 = arith.constant 4 : i32
      %dma_wait3A_357 = arith.constant 0 : i32
      %dma_wait3A_358 = tpu.memref_slice %arg7[%dma_wait3A_356, %dma_wait3A_357] : memref<8x128xf32, #tpu.memory_space<vmem>> -> memref<1x128xf32, #tpu.memory_space<vmem>>
      %dma_wait3A_359 = tpu.memref_squeeze %dma_wait3A_358 : memref<1x128xf32, #tpu.memory_space<vmem>> -> memref<128xf32, #tpu.memory_space<vmem>>
      %dma_wait3A_360 = arith.constant 0 : i32
      %dma_wait3A_361 = tpu.memref_slice %arg6[%add3A_355, %dma_wait3A_360] : memref<160x128xi32, #tpu.memory_space<vmem>> -> memref<1x128xi32, #tpu.memory_space<vmem>>
      %dma_wait3A_362 = tpu.memref_squeeze %dma_wait3A_361 : memref<1x128xi32, #tpu.memory_space<vmem>> -> memref<128xi32, #tpu.memory_space<vmem>>
      %dma_wait3A_363 = arith.constant 0 : i32
      %dma_wait3A_364 = tpu.memref_slice %arg9[%dma_wait3A_363] : memref<1015808xf32, #tpu.memory_space<vmem_shared>> -> memref<1015808xf32, #tpu.memory_space<vmem_shared>>
      tpu.wait_indirect_dma semaphore(%arg15 : memref<!tpu.dma_semaphore, #tpu.memory_space<semaphore_mem>>) src(%dma_wait3A_364 : memref<1015808xf32, #tpu.memory_space<vmem_shared>>) dst(%dma_wait3A_359 : memref<128xf32, #tpu.memory_space<vmem>>)
      %get3A_365 = arith.constant 4 : i32
      %get3A_366 = arith.index_cast %get3A_365 : i32 to index
      %get3A_367 = arith.constant 0 : index
      %get3A_368 = tpu.vector_load %arg7[%get3A_366, %get3A_367] {strides = array<i32>} : memref<8x128xf32, #tpu.memory_space<vmem>>, vector<1x16xf32>,
      %get3A_369 = vector.shape_cast %get3A_368 : vector<1x16xf32> to vector<16xf32>
      %add3A_370 = arith.addf %add3A_324, %get3A_369 : vector<16xf32>
      %get3A_371 = arith.constant 4 : i32
      %get3A_372 = arith.index_cast %get3A_371 : i32 to index
      %get3A_373 = arith.constant 32 : index
      %get3A_374 = tpu.vector_load %arg7[%get3A_372, %get3A_373] {strides = array<i32>} : memref<8x128xf32, #tpu.memory_space<vmem>>, vector<1x16xf32>,
      %get3A_375 = vector.shape_cast %get3A_374 : vector<1x16xf32> to vector<16xf32>
      %add3A_376 = arith.addf %add3A_370, %get3A_375 : vector<16xf32>
      %get3A_377 = arith.constant 4 : i32
      %get3A_378 = arith.index_cast %get3A_377 : i32 to index
      %get3A_379 = arith.constant 64 : index
      %get3A_380 = tpu.vector_load %arg7[%get3A_378, %get3A_379] {strides = array<i32>} : memref<8x128xf32, #tpu.memory_space<vmem>>, vector<1x16xf32>,
      %get3A_381 = vector.shape_cast %get3A_380 : vector<1x16xf32> to vector<16xf32>
      %add3A_382 = arith.addf %add3A_376, %get3A_381 : vector<16xf32>
      %get3A_383 = arith.constant 4 : i32
      %get3A_384 = arith.index_cast %get3A_383 : i32 to index
      %get3A_385 = arith.constant 96 : index
      %get3A_386 = tpu.vector_load %arg7[%get3A_384, %get3A_385] {strides = array<i32>} : memref<8x128xf32, #tpu.memory_space<vmem>>, vector<1x16xf32>,
      %get3A_387 = vector.shape_cast %get3A_386 : vector<1x16xf32> to vector<16xf32>
      %add3A_388 = arith.addf %add3A_382, %get3A_387 : vector<16xf32>
      %get3A_389 = arith.constant 4 : i32
      %get3A_390 = arith.index_cast %get3A_389 : i32 to index
      %get3A_391 = arith.constant 16 : index
      %get3A_392 = tpu.vector_load %arg7[%get3A_390, %get3A_391] {strides = array<i32>} : memref<8x128xf32, #tpu.memory_space<vmem>>, vector<1x16xf32>,
      %get3A_393 = vector.shape_cast %get3A_392 : vector<1x16xf32> to vector<16xf32>
      %add3A_394 = arith.addf %add3A_348, %get3A_393 : vector<16xf32>
      %get3A_395 = arith.constant 4 : i32
      %get3A_396 = arith.index_cast %get3A_395 : i32 to index
      %get3A_397 = arith.constant 48 : index
      %get3A_398 = tpu.vector_load %arg7[%get3A_396, %get3A_397] {strides = array<i32>} : memref<8x128xf32, #tpu.memory_space<vmem>>, vector<1x16xf32>,
      %get3A_399 = vector.shape_cast %get3A_398 : vector<1x16xf32> to vector<16xf32>
      %add3A_400 = arith.addf %add3A_394, %get3A_399 : vector<16xf32>
      %get3A_401 = arith.constant 4 : i32
      %get3A_402 = arith.index_cast %get3A_401 : i32 to index
      %get3A_403 = arith.constant 80 : index
      %get3A_404 = tpu.vector_load %arg7[%get3A_402, %get3A_403] {strides = array<i32>} : memref<8x128xf32, #tpu.memory_space<vmem>>, vector<1x16xf32>,
      %get3A_405 = vector.shape_cast %get3A_404 : vector<1x16xf32> to vector<16xf32>
      %add3A_406 = arith.addf %add3A_400, %get3A_405 : vector<16xf32>
      %get3A_407 = arith.constant 4 : i32
      %get3A_408 = arith.index_cast %get3A_407 : i32 to index
      %get3A_409 = arith.constant 112 : index
      %get3A_410 = tpu.vector_load %arg7[%get3A_408, %get3A_409] {strides = array<i32>} : memref<8x128xf32, #tpu.memory_space<vmem>>, vector<1x16xf32>,
      %get3A_411 = vector.shape_cast %get3A_410 : vector<1x16xf32> to vector<16xf32>
      %add3A_412 = arith.addf %add3A_406, %get3A_411 : vector<16xf32>
      %lt3A_413 = arith.constant 19 : i32
      %lt3A_414 = arith.cmpi slt, %scan3A_98, %lt3A_413 : i32
      %convert_element_type3A_415 = arith.extui %lt3A_414 : i1 to i32
      %cond3A_416 = arith.constant 0 : i32
      %cond3A_417 = arith.cmpi ne, %convert_element_type3A_415, %cond3A_416 : i32
      scf.if %cond3A_417 {
        %add3A_610 = arith.constant 8 : i32
        %add3A_611 = arith.addi %mul3A_102, %add3A_610 : i32
        %add3A_612 = arith.constant 4 : i32
        %add3A_613 = arith.addi %add3A_611, %add3A_612 : i32
        %dma_start3A_614 = arith.constant 4 : i32
        %dma_start3A_615 = arith.constant 0 : i32
        %dma_start3A_616 = tpu.memref_slice %arg7[%dma_start3A_614, %dma_start3A_615] : memref<8x128xf32, #tpu.memory_space<vmem>> -> memref<1x128xf32, #tpu.memory_space<vmem>>
        %dma_start3A_617 = tpu.memref_squeeze %dma_start3A_616 : memref<1x128xf32, #tpu.memory_space<vmem>> -> memref<128xf32, #tpu.memory_space<vmem>>
        %dma_start3A_618 = arith.constant 0 : i32
        %dma_start3A_619 = tpu.memref_slice %arg6[%add3A_613, %dma_start3A_618] : memref<160x128xi32, #tpu.memory_space<vmem>> -> memref<1x128xi32, #tpu.memory_space<vmem>>
        %dma_start3A_620 = tpu.memref_squeeze %dma_start3A_619 : memref<1x128xi32, #tpu.memory_space<vmem>> -> memref<128xi32, #tpu.memory_space<vmem>>
        %dma_start3A_621 = arith.constant 0 : i32
        %dma_start3A_622 = tpu.memref_slice %arg9[%dma_start3A_621] : memref<1015808xf32, #tpu.memory_space<vmem_shared>> -> memref<1015808xf32, #tpu.memory_space<vmem_shared>>
        tpu.enqueue_indirect_dma source(%dma_start3A_622 : memref<1015808xf32, #tpu.memory_space<vmem_shared>>) target(%dma_start3A_617 : memref<128xf32, #tpu.memory_space<vmem>>) offsets(%dma_start3A_620 : memref<128xi32, #tpu.memory_space<vmem>>) semaphore(%arg15 : memref<!tpu.dma_semaphore, #tpu.memory_space<semaphore_mem>>)
      } else {
      }
      %add3A_418 = arith.constant 5 : i32
      %add3A_419 = arith.addi %mul3A_102, %add3A_418 : i32
      %dma_wait3A_420 = arith.constant 5 : i32
      %dma_wait3A_421 = arith.constant 0 : i32
      %dma_wait3A_422 = tpu.memref_slice %arg7[%dma_wait3A_420, %dma_wait3A_421] : memref<8x128xf32, #tpu.memory_space<vmem>> -> memref<1x128xf32, #tpu.memory_space<vmem>>
      %dma_wait3A_423 = tpu.memref_squeeze %dma_wait3A_422 : memref<1x128xf32, #tpu.memory_space<vmem>> -> memref<128xf32, #tpu.memory_space<vmem>>
      %dma_wait3A_424 = arith.constant 0 : i32
      %dma_wait3A_425 = tpu.memref_slice %arg6[%add3A_419, %dma_wait3A_424] : memref<160x128xi32, #tpu.memory_space<vmem>> -> memref<1x128xi32, #tpu.memory_space<vmem>>
      %dma_wait3A_426 = tpu.memref_squeeze %dma_wait3A_425 : memref<1x128xi32, #tpu.memory_space<vmem>> -> memref<128xi32, #tpu.memory_space<vmem>>
      %dma_wait3A_427 = arith.constant 0 : i32
      %dma_wait3A_428 = tpu.memref_slice %arg9[%dma_wait3A_427] : memref<1015808xf32, #tpu.memory_space<vmem_shared>> -> memref<1015808xf32, #tpu.memory_space<vmem_shared>>
      tpu.wait_indirect_dma semaphore(%arg16 : memref<!tpu.dma_semaphore, #tpu.memory_space<semaphore_mem>>) src(%dma_wait3A_428 : memref<1015808xf32, #tpu.memory_space<vmem_shared>>) dst(%dma_wait3A_423 : memref<128xf32, #tpu.memory_space<vmem>>)
      %get3A_429 = arith.constant 5 : i32
      %get3A_430 = arith.index_cast %get3A_429 : i32 to index
      %get3A_431 = arith.constant 0 : index
      %get3A_432 = tpu.vector_load %arg7[%get3A_430, %get3A_431] {strides = array<i32>} : memref<8x128xf32, #tpu.memory_space<vmem>>, vector<1x16xf32>,
      %get3A_433 = vector.shape_cast %get3A_432 : vector<1x16xf32> to vector<16xf32>
      %add3A_434 = arith.addf %add3A_388, %get3A_433 : vector<16xf32>
      %get3A_435 = arith.constant 5 : i32
      %get3A_436 = arith.index_cast %get3A_435 : i32 to index
      %get3A_437 = arith.constant 32 : index
      %get3A_438 = tpu.vector_load %arg7[%get3A_436, %get3A_437] {strides = array<i32>} : memref<8x128xf32, #tpu.memory_space<vmem>>, vector<1x16xf32>,
      %get3A_439 = vector.shape_cast %get3A_438 : vector<1x16xf32> to vector<16xf32>
      %add3A_440 = arith.addf %add3A_434, %get3A_439 : vector<16xf32>
      %get3A_441 = arith.constant 5 : i32
      %get3A_442 = arith.index_cast %get3A_441 : i32 to index
      %get3A_443 = arith.constant 64 : index
      %get3A_444 = tpu.vector_load %arg7[%get3A_442, %get3A_443] {strides = array<i32>} : memref<8x128xf32, #tpu.memory_space<vmem>>, vector<1x16xf32>,
      %get3A_445 = vector.shape_cast %get3A_444 : vector<1x16xf32> to vector<16xf32>
      %add3A_446 = arith.addf %add3A_440, %get3A_445 : vector<16xf32>
      %get3A_447 = arith.constant 5 : i32
      %get3A_448 = arith.index_cast %get3A_447 : i32 to index
      %get3A_449 = arith.constant 96 : index
      %get3A_450 = tpu.vector_load %arg7[%get3A_448, %get3A_449] {strides = array<i32>} : memref<8x128xf32, #tpu.memory_space<vmem>>, vector<1x16xf32>,
      %get3A_451 = vector.shape_cast %get3A_450 : vector<1x16xf32> to vector<16xf32>
      %add3A_452 = arith.addf %add3A_446, %get3A_451 : vector<16xf32>
      %get3A_453 = arith.constant 5 : i32
      %get3A_454 = arith.index_cast %get3A_453 : i32 to index
      %get3A_455 = arith.constant 16 : index
      %get3A_456 = tpu.vector_load %arg7[%get3A_454, %get3A_455] {strides = array<i32>} : memref<8x128xf32, #tpu.memory_space<vmem>>, vector<1x16xf32>,
      %get3A_457 = vector.shape_cast %get3A_456 : vector<1x16xf32> to vector<16xf32>
      %add3A_458 = arith.addf %add3A_412, %get3A_457 : vector<16xf32>
      %get3A_459 = arith.constant 5 : i32
      %get3A_460 = arith.index_cast %get3A_459 : i32 to index
      %get3A_461 = arith.constant 48 : index
      %get3A_462 = tpu.vector_load %arg7[%get3A_460, %get3A_461] {strides = array<i32>} : memref<8x128xf32, #tpu.memory_space<vmem>>, vector<1x16xf32>,
      %get3A_463 = vector.shape_cast %get3A_462 : vector<1x16xf32> to vector<16xf32>
      %add3A_464 = arith.addf %add3A_458, %get3A_463 : vector<16xf32>
      %get3A_465 = arith.constant 5 : i32
      %get3A_466 = arith.index_cast %get3A_465 : i32 to index
      %get3A_467 = arith.constant 80 : index
      %get3A_468 = tpu.vector_load %arg7[%get3A_466, %get3A_467] {strides = array<i32>} : memref<8x128xf32, #tpu.memory_space<vmem>>, vector<1x16xf32>,
      %get3A_469 = vector.shape_cast %get3A_468 : vector<1x16xf32> to vector<16xf32>
      %add3A_470 = arith.addf %add3A_464, %get3A_469 : vector<16xf32>
      %get3A_471 = arith.constant 5 : i32
      %get3A_472 = arith.index_cast %get3A_471 : i32 to index
      %get3A_473 = arith.constant 112 : index
      %get3A_474 = tpu.vector_load %arg7[%get3A_472, %get3A_473] {strides = array<i32>} : memref<8x128xf32, #tpu.memory_space<vmem>>, vector<1x16xf32>,
      %get3A_475 = vector.shape_cast %get3A_474 : vector<1x16xf32> to vector<16xf32>
      %add3A_476 = arith.addf %add3A_470, %get3A_475 : vector<16xf32>
      %lt3A_477 = arith.constant 19 : i32
      %lt3A_478 = arith.cmpi slt, %scan3A_98, %lt3A_477 : i32
      %convert_element_type3A_479 = arith.extui %lt3A_478 : i1 to i32
      %cond3A_480 = arith.constant 0 : i32
      %cond3A_481 = arith.cmpi ne, %convert_element_type3A_479, %cond3A_480 : i32
      scf.if %cond3A_481 {
        %add3A_610 = arith.constant 8 : i32
        %add3A_611 = arith.addi %mul3A_102, %add3A_610 : i32
        %add3A_612 = arith.constant 5 : i32
        %add3A_613 = arith.addi %add3A_611, %add3A_612 : i32
        %dma_start3A_614 = arith.constant 5 : i32
        %dma_start3A_615 = arith.constant 0 : i32
        %dma_start3A_616 = tpu.memref_slice %arg7[%dma_start3A_614, %dma_start3A_615] : memref<8x128xf32, #tpu.memory_space<vmem>> -> memref<1x128xf32, #tpu.memory_space<vmem>>
        %dma_start3A_617 = tpu.memref_squeeze %dma_start3A_616 : memref<1x128xf32, #tpu.memory_space<vmem>> -> memref<128xf32, #tpu.memory_space<vmem>>
        %dma_start3A_618 = arith.constant 0 : i32
        %dma_start3A_619 = tpu.memref_slice %arg6[%add3A_613, %dma_start3A_618] : memref<160x128xi32, #tpu.memory_space<vmem>> -> memref<1x128xi32, #tpu.memory_space<vmem>>
        %dma_start3A_620 = tpu.memref_squeeze %dma_start3A_619 : memref<1x128xi32, #tpu.memory_space<vmem>> -> memref<128xi32, #tpu.memory_space<vmem>>
        %dma_start3A_621 = arith.constant 0 : i32
        %dma_start3A_622 = tpu.memref_slice %arg9[%dma_start3A_621] : memref<1015808xf32, #tpu.memory_space<vmem_shared>> -> memref<1015808xf32, #tpu.memory_space<vmem_shared>>
        tpu.enqueue_indirect_dma source(%dma_start3A_622 : memref<1015808xf32, #tpu.memory_space<vmem_shared>>) target(%dma_start3A_617 : memref<128xf32, #tpu.memory_space<vmem>>) offsets(%dma_start3A_620 : memref<128xi32, #tpu.memory_space<vmem>>) semaphore(%arg16 : memref<!tpu.dma_semaphore, #tpu.memory_space<semaphore_mem>>)
      } else {
      }
      %add3A_482 = arith.constant 6 : i32
      %add3A_483 = arith.addi %mul3A_102, %add3A_482 : i32
      %dma_wait3A_484 = arith.constant 6 : i32
      %dma_wait3A_485 = arith.constant 0 : i32
      %dma_wait3A_486 = tpu.memref_slice %arg7[%dma_wait3A_484, %dma_wait3A_485] : memref<8x128xf32, #tpu.memory_space<vmem>> -> memref<1x128xf32, #tpu.memory_space<vmem>>
      %dma_wait3A_487 = tpu.memref_squeeze %dma_wait3A_486 : memref<1x128xf32, #tpu.memory_space<vmem>> -> memref<128xf32, #tpu.memory_space<vmem>>
      %dma_wait3A_488 = arith.constant 0 : i32
      %dma_wait3A_489 = tpu.memref_slice %arg6[%add3A_483, %dma_wait3A_488] : memref<160x128xi32, #tpu.memory_space<vmem>> -> memref<1x128xi32, #tpu.memory_space<vmem>>
      %dma_wait3A_490 = tpu.memref_squeeze %dma_wait3A_489 : memref<1x128xi32, #tpu.memory_space<vmem>> -> memref<128xi32, #tpu.memory_space<vmem>>
      %dma_wait3A_491 = arith.constant 0 : i32
      %dma_wait3A_492 = tpu.memref_slice %arg9[%dma_wait3A_491] : memref<1015808xf32, #tpu.memory_space<vmem_shared>> -> memref<1015808xf32, #tpu.memory_space<vmem_shared>>
      tpu.wait_indirect_dma semaphore(%arg17 : memref<!tpu.dma_semaphore, #tpu.memory_space<semaphore_mem>>) src(%dma_wait3A_492 : memref<1015808xf32, #tpu.memory_space<vmem_shared>>) dst(%dma_wait3A_487 : memref<128xf32, #tpu.memory_space<vmem>>)
      %get3A_493 = arith.constant 6 : i32
      %get3A_494 = arith.index_cast %get3A_493 : i32 to index
      %get3A_495 = arith.constant 0 : index
      %get3A_496 = tpu.vector_load %arg7[%get3A_494, %get3A_495] {strides = array<i32>} : memref<8x128xf32, #tpu.memory_space<vmem>>, vector<1x16xf32>,
      %get3A_497 = vector.shape_cast %get3A_496 : vector<1x16xf32> to vector<16xf32>
      %add3A_498 = arith.addf %add3A_452, %get3A_497 : vector<16xf32>
      %get3A_499 = arith.constant 6 : i32
      %get3A_500 = arith.index_cast %get3A_499 : i32 to index
      %get3A_501 = arith.constant 32 : index
      %get3A_502 = tpu.vector_load %arg7[%get3A_500, %get3A_501] {strides = array<i32>} : memref<8x128xf32, #tpu.memory_space<vmem>>, vector<1x16xf32>,
      %get3A_503 = vector.shape_cast %get3A_502 : vector<1x16xf32> to vector<16xf32>
      %add3A_504 = arith.addf %add3A_498, %get3A_503 : vector<16xf32>
      %get3A_505 = arith.constant 6 : i32
      %get3A_506 = arith.index_cast %get3A_505 : i32 to index
      %get3A_507 = arith.constant 64 : index
      %get3A_508 = tpu.vector_load %arg7[%get3A_506, %get3A_507] {strides = array<i32>} : memref<8x128xf32, #tpu.memory_space<vmem>>, vector<1x16xf32>,
      %get3A_509 = vector.shape_cast %get3A_508 : vector<1x16xf32> to vector<16xf32>
      %add3A_510 = arith.addf %add3A_504, %get3A_509 : vector<16xf32>
      %get3A_511 = arith.constant 6 : i32
      %get3A_512 = arith.index_cast %get3A_511 : i32 to index
      %get3A_513 = arith.constant 96 : index
      %get3A_514 = tpu.vector_load %arg7[%get3A_512, %get3A_513] {strides = array<i32>} : memref<8x128xf32, #tpu.memory_space<vmem>>, vector<1x16xf32>,
      %get3A_515 = vector.shape_cast %get3A_514 : vector<1x16xf32> to vector<16xf32>
      %add3A_516 = arith.addf %add3A_510, %get3A_515 : vector<16xf32>
      %get3A_517 = arith.constant 6 : i32
      %get3A_518 = arith.index_cast %get3A_517 : i32 to index
      %get3A_519 = arith.constant 16 : index
      %get3A_520 = tpu.vector_load %arg7[%get3A_518, %get3A_519] {strides = array<i32>} : memref<8x128xf32, #tpu.memory_space<vmem>>, vector<1x16xf32>,
      %get3A_521 = vector.shape_cast %get3A_520 : vector<1x16xf32> to vector<16xf32>
      %add3A_522 = arith.addf %add3A_476, %get3A_521 : vector<16xf32>
      %get3A_523 = arith.constant 6 : i32
      %get3A_524 = arith.index_cast %get3A_523 : i32 to index
      %get3A_525 = arith.constant 48 : index
      %get3A_526 = tpu.vector_load %arg7[%get3A_524, %get3A_525] {strides = array<i32>} : memref<8x128xf32, #tpu.memory_space<vmem>>, vector<1x16xf32>,
      %get3A_527 = vector.shape_cast %get3A_526 : vector<1x16xf32> to vector<16xf32>
      %add3A_528 = arith.addf %add3A_522, %get3A_527 : vector<16xf32>
      %get3A_529 = arith.constant 6 : i32
      %get3A_530 = arith.index_cast %get3A_529 : i32 to index
      %get3A_531 = arith.constant 80 : index
      %get3A_532 = tpu.vector_load %arg7[%get3A_530, %get3A_531] {strides = array<i32>} : memref<8x128xf32, #tpu.memory_space<vmem>>, vector<1x16xf32>,
      %get3A_533 = vector.shape_cast %get3A_532 : vector<1x16xf32> to vector<16xf32>
      %add3A_534 = arith.addf %add3A_528, %get3A_533 : vector<16xf32>
      %get3A_535 = arith.constant 6 : i32
      %get3A_536 = arith.index_cast %get3A_535 : i32 to index
      %get3A_537 = arith.constant 112 : index
      %get3A_538 = tpu.vector_load %arg7[%get3A_536, %get3A_537] {strides = array<i32>} : memref<8x128xf32, #tpu.memory_space<vmem>>, vector<1x16xf32>,
      %get3A_539 = vector.shape_cast %get3A_538 : vector<1x16xf32> to vector<16xf32>
      %add3A_540 = arith.addf %add3A_534, %get3A_539 : vector<16xf32>
      %lt3A_541 = arith.constant 19 : i32
      %lt3A_542 = arith.cmpi slt, %scan3A_98, %lt3A_541 : i32
      %convert_element_type3A_543 = arith.extui %lt3A_542 : i1 to i32
      %cond3A_544 = arith.constant 0 : i32
      %cond3A_545 = arith.cmpi ne, %convert_element_type3A_543, %cond3A_544 : i32
      scf.if %cond3A_545 {
        %add3A_610 = arith.constant 8 : i32
        %add3A_611 = arith.addi %mul3A_102, %add3A_610 : i32
        %add3A_612 = arith.constant 6 : i32
        %add3A_613 = arith.addi %add3A_611, %add3A_612 : i32
        %dma_start3A_614 = arith.constant 6 : i32
        %dma_start3A_615 = arith.constant 0 : i32
        %dma_start3A_616 = tpu.memref_slice %arg7[%dma_start3A_614, %dma_start3A_615] : memref<8x128xf32, #tpu.memory_space<vmem>> -> memref<1x128xf32, #tpu.memory_space<vmem>>
        %dma_start3A_617 = tpu.memref_squeeze %dma_start3A_616 : memref<1x128xf32, #tpu.memory_space<vmem>> -> memref<128xf32, #tpu.memory_space<vmem>>
        %dma_start3A_618 = arith.constant 0 : i32
        %dma_start3A_619 = tpu.memref_slice %arg6[%add3A_613, %dma_start3A_618] : memref<160x128xi32, #tpu.memory_space<vmem>> -> memref<1x128xi32, #tpu.memory_space<vmem>>
        %dma_start3A_620 = tpu.memref_squeeze %dma_start3A_619 : memref<1x128xi32, #tpu.memory_space<vmem>> -> memref<128xi32, #tpu.memory_space<vmem>>
        %dma_start3A_621 = arith.constant 0 : i32
        %dma_start3A_622 = tpu.memref_slice %arg9[%dma_start3A_621] : memref<1015808xf32, #tpu.memory_space<vmem_shared>> -> memref<1015808xf32, #tpu.memory_space<vmem_shared>>
        tpu.enqueue_indirect_dma source(%dma_start3A_622 : memref<1015808xf32, #tpu.memory_space<vmem_shared>>) target(%dma_start3A_617 : memref<128xf32, #tpu.memory_space<vmem>>) offsets(%dma_start3A_620 : memref<128xi32, #tpu.memory_space<vmem>>) semaphore(%arg17 : memref<!tpu.dma_semaphore, #tpu.memory_space<semaphore_mem>>)
      } else {
      }
      %add3A_546 = arith.constant 7 : i32
      %add3A_547 = arith.addi %mul3A_102, %add3A_546 : i32
      %dma_wait3A_548 = arith.constant 7 : i32
      %dma_wait3A_549 = arith.constant 0 : i32
      %dma_wait3A_550 = tpu.memref_slice %arg7[%dma_wait3A_548, %dma_wait3A_549] : memref<8x128xf32, #tpu.memory_space<vmem>> -> memref<1x128xf32, #tpu.memory_space<vmem>>
      %dma_wait3A_551 = tpu.memref_squeeze %dma_wait3A_550 : memref<1x128xf32, #tpu.memory_space<vmem>> -> memref<128xf32, #tpu.memory_space<vmem>>
      %dma_wait3A_552 = arith.constant 0 : i32
      %dma_wait3A_553 = tpu.memref_slice %arg6[%add3A_547, %dma_wait3A_552] : memref<160x128xi32, #tpu.memory_space<vmem>> -> memref<1x128xi32, #tpu.memory_space<vmem>>
      %dma_wait3A_554 = tpu.memref_squeeze %dma_wait3A_553 : memref<1x128xi32, #tpu.memory_space<vmem>> -> memref<128xi32, #tpu.memory_space<vmem>>
      %dma_wait3A_555 = arith.constant 0 : i32
      %dma_wait3A_556 = tpu.memref_slice %arg9[%dma_wait3A_555] : memref<1015808xf32, #tpu.memory_space<vmem_shared>> -> memref<1015808xf32, #tpu.memory_space<vmem_shared>>
      tpu.wait_indirect_dma semaphore(%arg18 : memref<!tpu.dma_semaphore, #tpu.memory_space<semaphore_mem>>) src(%dma_wait3A_556 : memref<1015808xf32, #tpu.memory_space<vmem_shared>>) dst(%dma_wait3A_551 : memref<128xf32, #tpu.memory_space<vmem>>)
      %get3A_557 = arith.constant 7 : i32
      %get3A_558 = arith.index_cast %get3A_557 : i32 to index
      %get3A_559 = arith.constant 0 : index
      %get3A_560 = tpu.vector_load %arg7[%get3A_558, %get3A_559] {strides = array<i32>} : memref<8x128xf32, #tpu.memory_space<vmem>>, vector<1x16xf32>,
      %get3A_561 = vector.shape_cast %get3A_560 : vector<1x16xf32> to vector<16xf32>
      %add3A_562 = arith.addf %add3A_516, %get3A_561 : vector<16xf32>
      %get3A_563 = arith.constant 7 : i32
      %get3A_564 = arith.index_cast %get3A_563 : i32 to index
      %get3A_565 = arith.constant 32 : index
      %get3A_566 = tpu.vector_load %arg7[%get3A_564, %get3A_565] {strides = array<i32>} : memref<8x128xf32, #tpu.memory_space<vmem>>, vector<1x16xf32>,
      %get3A_567 = vector.shape_cast %get3A_566 : vector<1x16xf32> to vector<16xf32>
      %add3A_568 = arith.addf %add3A_562, %get3A_567 : vector<16xf32>
      %get3A_569 = arith.constant 7 : i32
      %get3A_570 = arith.index_cast %get3A_569 : i32 to index
      %get3A_571 = arith.constant 64 : index
      %get3A_572 = tpu.vector_load %arg7[%get3A_570, %get3A_571] {strides = array<i32>} : memref<8x128xf32, #tpu.memory_space<vmem>>, vector<1x16xf32>,
      %get3A_573 = vector.shape_cast %get3A_572 : vector<1x16xf32> to vector<16xf32>
      %add3A_574 = arith.addf %add3A_568, %get3A_573 : vector<16xf32>
      %get3A_575 = arith.constant 7 : i32
      %get3A_576 = arith.index_cast %get3A_575 : i32 to index
      %get3A_577 = arith.constant 96 : index
      %get3A_578 = tpu.vector_load %arg7[%get3A_576, %get3A_577] {strides = array<i32>} : memref<8x128xf32, #tpu.memory_space<vmem>>, vector<1x16xf32>,
      %get3A_579 = vector.shape_cast %get3A_578 : vector<1x16xf32> to vector<16xf32>
      %add3A_580 = arith.addf %add3A_574, %get3A_579 : vector<16xf32>
      %get3A_581 = arith.constant 7 : i32
      %get3A_582 = arith.index_cast %get3A_581 : i32 to index
      %get3A_583 = arith.constant 16 : index
      %get3A_584 = tpu.vector_load %arg7[%get3A_582, %get3A_583] {strides = array<i32>} : memref<8x128xf32, #tpu.memory_space<vmem>>, vector<1x16xf32>,
      %get3A_585 = vector.shape_cast %get3A_584 : vector<1x16xf32> to vector<16xf32>
      %add3A_586 = arith.addf %add3A_540, %get3A_585 : vector<16xf32>
      %get3A_587 = arith.constant 7 : i32
      %get3A_588 = arith.index_cast %get3A_587 : i32 to index
      %get3A_589 = arith.constant 48 : index
      %get3A_590 = tpu.vector_load %arg7[%get3A_588, %get3A_589] {strides = array<i32>} : memref<8x128xf32, #tpu.memory_space<vmem>>, vector<1x16xf32>,
      %get3A_591 = vector.shape_cast %get3A_590 : vector<1x16xf32> to vector<16xf32>
      %add3A_592 = arith.addf %add3A_586, %get3A_591 : vector<16xf32>
      %get3A_593 = arith.constant 7 : i32
      %get3A_594 = arith.index_cast %get3A_593 : i32 to index
      %get3A_595 = arith.constant 80 : index
      %get3A_596 = tpu.vector_load %arg7[%get3A_594, %get3A_595] {strides = array<i32>} : memref<8x128xf32, #tpu.memory_space<vmem>>, vector<1x16xf32>,
      %get3A_597 = vector.shape_cast %get3A_596 : vector<1x16xf32> to vector<16xf32>
      %add3A_598 = arith.addf %add3A_592, %get3A_597 : vector<16xf32>
      %get3A_599 = arith.constant 7 : i32
      %get3A_600 = arith.index_cast %get3A_599 : i32 to index
      %get3A_601 = arith.constant 112 : index
      %get3A_602 = tpu.vector_load %arg7[%get3A_600, %get3A_601] {strides = array<i32>} : memref<8x128xf32, #tpu.memory_space<vmem>>, vector<1x16xf32>,
      %get3A_603 = vector.shape_cast %get3A_602 : vector<1x16xf32> to vector<16xf32>
      %add3A_604 = arith.addf %add3A_598, %get3A_603 : vector<16xf32>
      %lt3A_605 = arith.constant 19 : i32
      %lt3A_606 = arith.cmpi slt, %scan3A_98, %lt3A_605 : i32
      %convert_element_type3A_607 = arith.extui %lt3A_606 : i1 to i32
      %cond3A_608 = arith.constant 0 : i32
      %cond3A_609 = arith.cmpi ne, %convert_element_type3A_607, %cond3A_608 : i32
      scf.if %cond3A_609 {
        %add3A_610 = arith.constant 8 : i32
        %add3A_611 = arith.addi %mul3A_102, %add3A_610 : i32
        %add3A_612 = arith.constant 7 : i32
        %add3A_613 = arith.addi %add3A_611, %add3A_612 : i32
        %dma_start3A_614 = arith.constant 7 : i32
        %dma_start3A_615 = arith.constant 0 : i32
        %dma_start3A_616 = tpu.memref_slice %arg7[%dma_start3A_614, %dma_start3A_615] : memref<8x128xf32, #tpu.memory_space<vmem>> -> memref<1x128xf32, #tpu.memory_space<vmem>>
        %dma_start3A_617 = tpu.memref_squeeze %dma_start3A_616 : memref<1x128xf32, #tpu.memory_space<vmem>> -> memref<128xf32, #tpu.memory_space<vmem>>
        %dma_start3A_618 = arith.constant 0 : i32
        %dma_start3A_619 = tpu.memref_slice %arg6[%add3A_613, %dma_start3A_618] : memref<160x128xi32, #tpu.memory_space<vmem>> -> memref<1x128xi32, #tpu.memory_space<vmem>>
        %dma_start3A_620 = tpu.memref_squeeze %dma_start3A_619 : memref<1x128xi32, #tpu.memory_space<vmem>> -> memref<128xi32, #tpu.memory_space<vmem>>
        %dma_start3A_621 = arith.constant 0 : i32
        %dma_start3A_622 = tpu.memref_slice %arg9[%dma_start3A_621] : memref<1015808xf32, #tpu.memory_space<vmem_shared>> -> memref<1015808xf32, #tpu.memory_space<vmem_shared>>
        tpu.enqueue_indirect_dma source(%dma_start3A_622 : memref<1015808xf32, #tpu.memory_space<vmem_shared>>) target(%dma_start3A_617 : memref<128xf32, #tpu.memory_space<vmem>>) offsets(%dma_start3A_620 : memref<128xi32, #tpu.memory_space<vmem>>) semaphore(%arg18 : memref<!tpu.dma_semaphore, #tpu.memory_space<semaphore_mem>>)
      } else {
      }
      scf.yield %add3A_580, %add3A_604 : vector<16xf32>, vector<16xf32>
    }
    %scan3A_93 = arith.constant 20 : i32
    %add3A_94 = arith.addf %scan3A_92#0, %scan3A_92#1 : vector<16xf32>
    %swap3A = arith.constant 0 : index
    %swap3A_95 = tpu.vector_load %arg8[%swap3A] {strides = array<i32>} : memref<16xf32, #tpu.memory_space<vmem>>, vector<16xf32>,
    %swap3A_96 = vector.shape_cast %swap3A_95 : vector<16xf32> to vector<16xf32>
    %swap3A_97 = vector.shape_cast %add3A_94 : vector<16xf32> to vector<16xf32>
    tpu.vector_store %arg8[%swap3A], %swap3A_97 {strides = array<i32>} : memref<16xf32, #tpu.memory_space<vmem>>, vector<16xf32>,
    "tpu.region"() ({
      %run_scoped3A = tpu.sem_alloc : memref<!tpu.dma_semaphore, #tpu.memory_space<semaphore_mem>>
      %dma_start3A_98 = arith.constant 0 : i32
      %dma_start3A_99 = tpu.memref_slice %arg5[%add3A, %dma_start3A_98] : memref<32x16xf32, #tpu.memory_space<hbm>> -> memref<1x16xf32, #tpu.memory_space<hbm>>
      %dma_start3A_100 = tpu.memref_squeeze %dma_start3A_99 : memref<1x16xf32, #tpu.memory_space<hbm>> -> memref<16xf32, #tpu.memory_space<hbm>>
      %dma_start3A_101 = arith.constant 0 : i32
      %dma_start3A_102 = tpu.memref_slice %arg5[%add3A, %dma_start3A_101] : memref<32x16xf32, #tpu.memory_space<hbm>> -> memref<1x16xf32, #tpu.memory_space<hbm>>
      %dma_start3A_103 = tpu.memref_squeeze %dma_start3A_102 : memref<1x16xf32, #tpu.memory_space<hbm>> -> memref<16xf32, #tpu.memory_space<hbm>>
      tpu.enqueue_dma source(%arg8 : memref<16xf32, #tpu.memory_space<vmem>>) target(%dma_start3A_103 : memref<16xf32, #tpu.memory_space<hbm>>) target_semaphore(%run_scoped3A : memref<!tpu.dma_semaphore, #tpu.memory_space<semaphore_mem>>)
      %dma_wait3A = arith.constant 0 : i32
      %dma_wait3A_104 = tpu.memref_slice %arg5[%add3A, %dma_wait3A] : memref<32x16xf32, #tpu.memory_space<hbm>> -> memref<1x16xf32, #tpu.memory_space<hbm>>
      %dma_wait3A_105 = tpu.memref_squeeze %dma_wait3A_104 : memref<1x16xf32, #tpu.memory_space<hbm>> -> memref<16xf32, #tpu.memory_space<hbm>>
      %dma_wait3A_106 = arith.constant 0 : i32
      %dma_wait3A_107 = tpu.memref_slice %arg5[%add3A, %dma_wait3A_106] : memref<32x16xf32, #tpu.memory_space<hbm>> -> memref<1x16xf32, #tpu.memory_space<hbm>>
      %dma_wait3A_108 = tpu.memref_squeeze %dma_wait3A_107 : memref<1x16xf32, #tpu.memory_space<hbm>> -> memref<16xf32, #tpu.memory_space<hbm>>
      tpu.wait_dma2 semaphore(%run_scoped3A : memref<!tpu.dma_semaphore, #tpu.memory_space<semaphore_mem>>) src(%arg8 : memref<16xf32, #tpu.memory_space<vmem>>) dst(%dma_wait3A_108 : memref<16xf32, #tpu.memory_space<hbm>>)
      tpu.yield
    }) : () -> ()
    return
  }
}

module attributes {stable_mosaic.version = 14 : i64} {
  func.func @_rowsum_body(%arg0: i32, %arg1: memref<64x32768xf32, #tpu.memory_space<vmem>>, %arg2: memref<32768xf32, #tpu.memory_space<vmem>>) attributes {dimension_semantics = [#tpu.dimension_semantics<arbitrary>], iteration_bounds = array<i64: 31>, scalar_prefetch = 0 : i64, scratch_operands = 0 : i64, tpu.core_type = #tpu.core_type<tc>, window_params = [{transform_indices = @transform_0, window_bounds = array<i64: 64, 32768>}, {transform_indices = @transform_1, window_bounds = array<i64: 32768>}]} {
    %get3A = arith.constant 0 : index
    %get3A_0 = arith.constant 0 : index
    %get3A_1 = vector.load %arg1[%get3A, %get3A_0] : memref<64x32768xf32, #tpu.memory_space<vmem>>, vector<64x32768xf32>
    %reduce_sum3A = arith.constant dense<0.000000e+00> : vector<32768xf32>
    %reduce_sum3A_2 = vector.multi_reduction <add>, %get3A_1, %reduce_sum3A [0] : vector<64x32768xf32> to vector<32768xf32>
    %swap3A = arith.constant 0 : index
    %swap3A_3 = vector.load %arg2[%swap3A] : memref<32768xf32, #tpu.memory_space<vmem>>, vector<32768xf32>
    tpu.vector_store %arg2[%swap3A], %reduce_sum3A_2 {strides = array<i32>} : memref<32768xf32, #tpu.memory_space<vmem>>, vector<32768xf32>,
    return
  }
  func.func @transform_0(%arg0: i32) -> (i32, i32) {
    %c0_i32 = arith.constant 0 : i32
    %c0_i32_0 = arith.constant 0 : i32
    return %c0_i32, %arg0 : i32, i32
  }
  func.func @transform_1(%arg0: i32) -> i32 {
    %c0_i32 = arith.constant 0 : i32
    return %arg0 : i32
  }
}

</mosaic_0001>

<sc_bundles>
// kernel: kernel.5.cloned.1.call-start
scs
__scs_entry_jumppad:
0x0: {  	(pc) =	sbr.rel $0x88, $3  }
0x1: {  	(tag) =	ssettag $0x0;
	lr =	simm.s32 $0x1  }
0x2: {  	[smem:$0x3F9E] =	sst lr;
	_ =	strace $0xD0000000  }
0x3: {  	_ = 	snop  }
0x4: {  	_ = 	snop  }
0x5: {  	_ = 	snop  }
0x6: {  	_ = 	snop  }
0x7: {  	_ = 	snop  }
__scs_overlays_trampoline_lowered:
0x8: {  	[smem:$0x3FAD] =	sst s0  }
0x9: {  	[smem:$0x3FAE] =	sst s1  }
0xa: {  	[smem:$0x3FAF] =	sst s2  }
0xb: {  	[smem:$0x3FB0] =	sst s3  }
0xc: {  	[smem:$0x3FB1] =	sst s4  }
0xd: {  	[smem:$0x3FB2] =	sst s5  }
0xe: {  	[smem:$0x3FB3] =	sst s6  }
0xf: {  	[smem:$0x3FB4] =	sst s7  }
0x10: {  	[smem:$0x3FB5] =	sst s8  }
0x11: {  	[smem:$0x3FB6] =	sst s9;
	s0 =	simm.s32 @!p0 $0x0  }
0x12: {  	s1 =	sld [smem:$0x3F9C];
	s0 =	simm.s32 @p0 $0x1  }
0x13: {  	[smem:$0x3FB7] =	sst s0;
	s0 =	simm.s32 @!p1 $0x0  }
0x14: {  	s2 =	sld [smem:$0x3F9B];
	s0 =	simm.s32 @p1 $0x1  }
0x15: {  	[smem:$0x3FB8] =	sst s0;
	s0 =	simm.s32 @!p2 $0x0  }
0x16: {  	s3 =	sld [smem:$0x3FDB];
	s0 =	simm.s32 @p2 $0x1  }
0x17: {  	s4 =	simm.s32 $0x1BF5;
	[smem:$0x3FBA] =	sst s0  }
0x18: {  	s0 =	sld [smem:$0x3F9D];
	_ =	swait.ge [sflag:s4], $0x0  }
0x19: {  	s7 =	sld [smem:$0x3F9E]  }
0x1a: {  	s8 =	sadd.s32 $0xFFFFE003, lr  }
0x1b: {  	s9 =	sadd.s32 $0xFFFFFEF7, lr;
	s5 =	simm.s32 $0xFFFFFFFF;
	p2 =	slt.u32 s8, $0xFFFFF086  }
0x1c: {  	p1 =	slt.u32 s9, $0xF7A;
	s5 =	simm.s32 @!p2 $0x0  }
0x1d: {  	s5 =	simm.s32 @p1 $0x1;
	p0 =	seq.s32 s7, s2  }
0x1e: {  	s7 =	smul.u32 @!p0 $0xF7A, s2;
	p2 =	seq.s32 @!p0 s5, $0x0  }
0x1f: {  	s9 =	smul.u32 $0xF7A, s1;
	s8 =	simm.s32 @!p0 $0x1BF5;
	p2 =	por !p2, p0  }
0x20: {  	[sflag:s8] =	ssyncset.s32 @!p0 $0xFFFFF086;
	s6 =	sadd.s32 @!p0 s3, s7;
	s7 =	simm.s32 @!p0 $0x108  }
0x21: {  	s3 =	sadd.s32 s3, s9;
	s6 =	sadd.s32 @!p0 $0x88, s6;
	s7 =	simm.s32 @p2 $0x1082  }
0x22: {  	[simem:s7], [sflag:s8] =	dma.local @!p0 [hbm:s6], $0xF7A  }
0x23: {  	s9 =	sor.u32 $0xD0000000, s2;
	s6 =	simm.s32 $0x108;
	_ =	swait.ge @!p0 [sflag:s8], $0x0  }
0x24: {  	s3 =	sadd.s32 $0x88, s3;
	s6 =	simm.s32 @!p1 $0x1082;
	[sflag:s4] =	ssyncset.s32 $0xFFFFF086  }
0x25: {  	[simem:s6], [sflag:s4] =	dma.local [hbm:s3], $0xF7A  }
0x26: {  	[smem:$0x3F9E] =	sst s1;
	(tag) =	ssettag s2;
	_ =	strace s9  }
0x27: {  	s1 =	sld [smem:$0x3FAE]  }
0x28: {  	s2 =	sld [smem:$0x3FAF]  }
0x29: {  	s4 =	sld [smem:$0x3FB1]  }
0x2a: {  	p0 =	seq.s32 s5, $0x0;
	s5 =	sld [smem:$0x3FB2]  }
0x2b: {  	s6 =	sld [smem:$0x3FB3]  }
0x2c: {  	s7 =	sld [smem:$0x3FB4]  }
0x2d: {  	s3 =	simm.s32 $0x108;
	s8 =	sld [smem:$0x3FB5]  }
0x2e: {  	s3 =	simm.s32 @!p0 $0x1082;
	s9 =	sld [smem:$0x3FB6]  }
0x2f: {  	lr =	sadd.s32 s0, s3;
	s0 =	sld [smem:$0x3FAD]  }
0x30: {  	s3 =	sld [smem:$0x3FB0]  }
0x31: {  	[smem:$0x3FB9] =	sst s10  }
0x32: {  	s10 =	sld [smem:$0x3FB7];
	_ =	sdelay $0x3  }
0x33: {  	p0 =	seq.s32 s10, $0x1;
	s10 =	sld [smem:$0x3FB9];
	_ =	sdelay $0x3  }
0x34: {  	[smem:$0x3FB9] =	sst s10  }
0x35: {  	s10 =	sld [smem:$0x3FB8];
	_ =	sdelay $0x3  }
0x36: {  	p1 =	seq.s32 s10, $0x1;
	s10 =	sld [smem:$0x3FB9];
	_ =	sdelay $0x3  }
0x37: {  	[smem:$0x3FB9] =	sst s10  }
0x38: {  	s10 =	sld [smem:$0x3FBA]  }
0x39: {  	_ = 	snop;
	(pc) =	sbr.ind lr, $3  }
0x3a: {  	_ = 	snop  }
0x3b: {  	_ = 	snop  }
0x3c: {  	p2 =	seq.s32 s10, $0x1;
	s10 =	sld [smem:$0x3FB9]  }
0x3d: {  	_ =	shalt  }
0x3e: {  	_ =	shalt  }
0x3f: {  	_ =	shalt  }
0x40: {  	_ =	shalt  }
0x41: {  	_ =	shalt  }
0x42: {  	_ =	shalt  }
0x43: {  	_ =	shalt  }
0x44: {  	_ =	shalt  }
0x45: {  	_ =	shalt  }
0x46: {  	_ =	shalt  }
0x47: {  	_ =	shalt  }
0x48: {  	_ =	shalt  }
0x49: {  	_ =	shalt  }
0x4a: {  	_ =	shalt  }
0x4b: {  	_ =	shalt  }
0x4c: {  	_ =	shalt  }
0x4d: {  	_ =	shalt  }
0x4e: {  	_ =	shalt  }
0x4f: {  	_ =	shalt  }
0x50: {  	_ =	shalt  }
0x51: {  	_ =	shalt  }
0x52: {  	_ =	shalt  }
0x53: {  	_ =	shalt  }
0x54: {  	_ =	shalt  }
0x55: {  	_ =	shalt  }
0x56: {  	_ =	shalt  }
0x57: {  	_ =	shalt  }
0x58: {  	_ =	shalt  }
0x59: {  	_ =	shalt  }
0x5a: {  	_ =	shalt  }
0x5b: {  	_ =	shalt  }
0x5c: {  	_ =	shalt  }
0x5d: {  	_ =	shalt  }
0x5e: {  	_ =	shalt  }
0x5f: {  	_ =	shalt  }
0x60: {  	_ =	shalt  }
0x61: {  	_ =	shalt  }
0x62: {  	_ =	shalt  }
0x63: {  	_ =	shalt  }
0x64: {  	_ =	shalt  }
0x65: {  	_ =	shalt  }
0x66: {  	_ =	shalt  }
0x67: {  	_ =	shalt  }
0x68: {  	_ =	shalt  }
0x69: {  	_ =	shalt  }
0x6a: {  	_ =	shalt  }
0x6b: {  	_ =	shalt  }
0x6c: {  	_ =	shalt  }
0x6d: {  	_ =	shalt  }
0x6e: {  	_ =	shalt  }
0x6f: {  	_ =	shalt  }
0x70: {  	_ =	shalt  }
0x71: {  	_ =	shalt  }
0x72: {  	_ =	shalt  }
0x73: {  	_ =	shalt  }
0x74: {  	_ =	shalt  }
0x75: {  	_ =	shalt  }
0x76: {  	_ =	shalt  }
0x77: {  	_ =	shalt  }
0x78: {  	_ =	shalt  }
0x79: {  	_ =	shalt  }
0x7a: {  	_ =	shalt  }
0x7b: {  	_ =	shalt  }
0x7c: {  	_ =	shalt  }
0x7d: {  	_ =	shalt  }
0x7e: {  	_ =	shalt  }
0x7f: {  	_ =	shalt  }
0x80: {  	_ =	shalt  }
0x81: {  	_ =	shalt  }
0x82: {  	_ =	shalt  }
0x83: {  	_ =	shalt  }
0x84: {  	_ =	shalt  }
0x85: {  	_ =	shalt  }
0x86: {  	_ =	shalt  }
0x87: {  	_ =	shalt  }
.Lfunc_end0:
.L_simem_size_0:
called_computation_lowered:
.L_overlay_start_0:
0x88: {  	s2 =	sld [smem:$0x3FD9]  }
0x89: {  	s3 =	sld [smem:$0x3FFE];
	_ =	sdelay $0x1  }
0x8a: {  	s1 =	srdreg.scid  }
0x8b: {  	s0 =	sand.u32 $0x1, s1  }
0x8c: {  	s15 =	sshll.u32 s0, $0xA;
	s2 =	sadd.s32 s3, s2  }
0x8d: {  	s2 =	sadd.s32 s2, s15  }
0x8e: {  	[smem:$0x3FC5] =	sst s2  }
0x8f: {  	_ = 	snop  }
0x90: {  	s2 =	sld [smem:$0x3FD0];
	_ =	sdelay $0x1  }
0x91: {  	s16 =	sld [smem:$0x3FC9]  }
0x92: {  	s5 =	simm.s32 $0xA;
	s6 =	simm.s32 $0x10;
	s4 =	sld [smem:$0x3FC8]  }
0x93: {  	[smem:s6], [sflag:s5] =	dma.local [hbm:s2], $0x1  }
0x94: {  	_ =	swait.eq [sflag:s5], $0x1  }
0x95: {  	[sflag:s5] =	ssyncset.done $0x0  }
0x96: {  	s17 =	sld [smem:$0x11];
	[sflag:s5] =	ssyncadd.s32 $0xFFFFFFFF  }
0x97: {  	s18 =	sld [smem:$0x12];
	(tm) =	ssettm $0x1  }
0x98: {  	s19 =	sld [smem:$0x3FFB];
	_ =	sdelay $0x3  }
0x99: {  	_ =	strace s19  }
0x9a: {  	s6 =	sld [smem:$0x3FFC];
	_ =	sdelay $0x3  }
0x9b: {  	_ =	strace s6  }
0x9c: {  	s6 =	sld [smem:$0x3FFD];
	_ =	sdelay $0x3  }
0x9d: {  	_ =	strace s6  }
0x9e: {  	_ =	strace $0x8FFFFFFF  }
0x9f: {  	s20 =	sld [smem:$0x3FDB];
	_ =	sdelay $0x1  }
0xa0: {  	s7 =	simm.s32 $_scs_section_size  }
0xa1: {  	s8 =	simm.s32 $_size__tile_overlayer_lowered;
	s9 =	simm.s32 $_tile_overlayer_lowered  }
0xa2: {  	s23 =	simm.s32 $0x1BFF;
	s22 =	sshll.u32 s9, $0x1;
	s6 =	sadd.s32 s7, s20  }
0xa3: {  	s10 =	simm.s32 $0x0;
	s21 =	sshll.u32 s8, $0x1;
	s8 =	sadd.s32 s22, s6  }
0xa4: {  	[timem:s10], [sflag:s23] =	dma.local [hbm:s8], s21  }
0xa5: {  	_ =	swait.ge [sflag:s23], s21  }
0xa6: {  	s7 =	ssub.s32 $0x0, s21;
	[sflag:s23] =	ssyncset.done $0x0  }
0xa7: {  	[sflag:s23] =	ssyncadd.s32 s7;
	_ =	sdelay $0x1  }
0xa8: {  	s24 =	simm.s32 $0x1B8B  }
0xa9: {  	_ =	swait.ge [sflag:s24], $0x1  }
0xaa: {  	[sflag:s24] =	ssyncset.done $0x0  }
0xab: {  	s25 =	simm.s32 $0x1B8E;
	[sflag:s24] =	ssyncadd.s32 $0xFFFFFFFF  }
0xac: {  	s26 =	simm.s32 $execute0_lowered;
	[smem:$0x3FD2] =	sst s25  }
0xad: {  	s7 =	sshll.u32 s26, $0x1;
	_ =	strace $0x80000046;
	[dreg:$0x1] =	wrdreg $0xFFFFFFFF  }
0xae: {  	s28 =	simm.s32 $_size_execute0_lowered;
	s6 =	sadd.s32 s6, s7;
	[dreg:$0x0] =	wrdreg $0x0  }
0xaf: {  	s7 =	sshll.u32 s28, $0x1;
	[dreg:$0x2] =	wrdreg s6  }
0xb0: {  	[dreg:$0x3] =	wrdreg s7  }
0xb1: {  	[dreg:$0x4] =	wrdreg $0xC0  }
0xb2: {  	_ =	task [dreg:s10], $0x5FFFF  }
0xb3: {  	[dreg:$0x1] =	wrdreg $0xFFFFFFFF  }
0xb4: {  	[dreg:$0x0] =	wrdreg $0x60  }
0xb5: {  	[dreg:$0x2] =	wrdreg s16  }
0xb6: {  	[dreg:$0x3] =	wrdreg s4  }
0xb7: {  	[dreg:$0x4] =	wrdreg s17  }
0xb8: {  	[dreg:$0x5] =	wrdreg s18  }
0xb9: {  	[dreg:$0x6] =	wrdreg $0x9  }
0xba: {  	_ =	task.clear_ibuf [dreg:s10], $0x7FFFF;
	_ =	strace $0x90000046  }
0xbb: {  	s29 =	simm.s32 $0x9;
	_ =	strace $0x80000048  }
0xbc: {  	_ =	swait.ge [sflag:s29], $0x1  }
0xbd: {  	[sflag:s29] =	ssyncadd.s32 $0xFFFFFFFF  }
0xbe: {  	_ =	strace $0x90000048  }
0xbf: {  	_ =	sfence  }
0xc0: {  	s30 =	sld [smem:$0x0];
	_ =	sdelay $0x2  }
0xc1: {  	s31 =	sshll.u32 s1, $0xD;
	s1 =	sshrl.u32 s1, $0x2  }
0xc2: {  	s3 =	sand.u32 $0x4000, s31;
	s1 =	sadd.s32 s1, s30  }
0xc3: {  	s0 =	sor.u32 s3, s0;
	s1 =	sshll.u32 s1, $0x11  }
0xc4: {  	s0 =	sor.u32 s1, s0  }
0xc5: {  	s0 =	sadd.s32 $0x8F2B, s0  }
0xc6: {  	[sflag:s0] =	ssyncadd.remote.s32 $0x1  }
0xc7: {  	_ =	sfence.sel $0xFFFF  }
0xc8: {  	[dreg:$0x0] =	wrdreg $0xFFFFFFFF;
	(pc) =	sbr.abs _section_cstart, $3  }
0xc9: {  	[dreg:$0x1] =	wrdreg $0xFFFFFFFF  }
0xca: {  	_ =	task.clear_ibuf [dreg:s10], $0x2FFFF;
	_ =	strace $0x9FFFFFFF  }
0xcb: {  	(tm) =	ssettm $0x7FFFFFFF  }
tec
execute0_lowered:
.L_overlay_start_1:
0x0: {  	(tag) =	ssettag $0x1  }
0x1: {  	s3 =	rddreg [dreg:$0x0]  }
0x2: {  	s5 =	rddreg [dreg:$0x1]  }
0x3: {  	s4 =	rddreg [dreg:$0x2];
	s1 =	srdreg.scid  }
0x4: {  	s0 =	stileid.u32;
	s6 =	rddreg [dreg:$0x3];
	s2 =	simm.s32 $0x0  }
0x5: {  	s10 =	simm.s32 $0x0;
	s7 =	sand.u32 $0x1, s1;
	s8 =	sshll.u32 s0, $0x1  }
0x6: {  	s1 =	rddreg [dreg:$0x4];
	s8 =	sor.u32 s7, s8;
	s7 =	ssub.s32 $0x2, s7  }
0x7: {  	[smem:$0x7FF] =	sst s2;
	s8 =	smul.u32 $0x500, s8;
	s9 =	sshrl.u32 s7, $0x1  }
0x8: {  	_ =	strace $0x80000047;
	s7 =	ssub.s32 s7, s9;
	s9 =	simm.s32 $0x2800  }
0x9: {  	s3 =	sadd.s32 s3, s8;
	s4 =	sadd.s32 s4, s8;
	s5 =	sadd.s32 s5, s8  }
0xa: {  	v0 =	vimm.s32 $0xFFE17B80;
	v1 =	vimm.s32 $0xFFF0BDC0;
	s6 =	sadd.s32 s6, s8;
	s7 =	smax.u32 s7, $0x1;
	s8 =	simm.s32 $0x1  }
.LBB2_1:
0xb: {  	[tilespmem:s2], [sflag:$0x1] =	stream.linear.gather [hbm4b:s3+s2], $0x2800, $0x38;
	[tilespmem:$0x5000] =	vst v63  }
0xc: {  	_ =	swait.ge [sflag:s8], $0x2800  }
0xd: {  	[sflag:s8] =	ssyncset.done $0x0  }
0xe: {  	s11 =	simm.s32 $0x0;
	[sflag:s8] =	ssyncadd.s32 $0xFFFFD800  }
0xf: {  	v2 =	vld [tilespmem:s11+$0x70]  }
0x10: {  	v3 =	vld [tilespmem:s11+$0x0]  }
0x11: {  	v4 =	vld [tilespmem:s11+$0x10]  }
0x12: {  	v6 =	vld [tilespmem:s11+$0x20]  }
0x13: {  	v9 =	vld [tilespmem:s11+$0x30]  }
0x14: {  	v10 =	vld [tilespmem:s11+$0x40];
	vm0 =	vlt.s32 v2, $0x1E8480  }
0x15: {  	vm1 =	vlt.s32 v3, $0x1E8480;
	v5 =	vsel vm0, $0x0, v0  }
0x16: {  	v11 =	vld [tilespmem:s11+$0x50];
	v7 =	vsel vm1, $0x0, v0;
	vm0 =	vlt.s32 v4, $0x1E8480;
	v2 =	vadd.s32 v2, v5  }
0x17: {  	v12 =	vld [tilespmem:s11+$0x60];
	v5 =	vsel vm0, $0x0, v0;
	vm0 =	vlt.s32 v6, $0x1E8480;
	vm1 =	vlt.s32 v2, $0xF4240  }
0x18: {  	v13 =	vsel vm0, $0x0, v0;
	vm0 =	vlt.s32 v9, $0x1E8480;
	v5 =	vadd.s32 v4, v5  }
0x19: {  	v8 =	vsel vm1, $0x0, v1;
	v14 =	vsel vm0, $0x0, v0;
	vm0 =	vlt.s32 v10, $0x1E8480  }
0x1a: {  	vm1 =	vlt.s32 v5, $0xF4240;
	v15 =	vadd.s32 v2, v8;
	v8 =	vadd.s32 v3, v7  }
0x1b: {  	v2 =	vsel vm0, $0x0, v0;
	vm0 =	vlt.s32 v11, $0x1E8480;
	v7 =	vadd.s32 v6, v13  }
0x1c: {  	v6 =	vadd.s32 v9, v14;
	v4 =	vsel vm0, $0x0, v0;
	vm0 =	vlt.s32 v12, $0x1E8480  }
0x1d: {  	v3 =	vadd.s32 v10, v2;
	vm2 =	vlt.s32 v8, $0xF4240;
	v9 =	vsel vm0, $0x0, v0  }
0x1e: {  	s12 =	simm.s32 $0x80;
	s13 =	simm.s32 $0x400;
	[tilespmem:s11+$0x2870] =	vst v15;
	v4 =	vadd.s32 v11, v4;
	vm0 =	vlt.s32 v7, $0xF4240;
	v2 =	vadd.s32 v12, v9  }
.LBB2_2:
0x1f: {  	p0 =	sne.s32 s13, $0x9E00;
	v9 =	vld [tilespmem:s12+$0x70];
	vm3 =	vlt.s32 v6, $0xF4240;
	vm4 =	vlt.s32 v3, $0xF4240;
	vm5 =	vlt.s32 v4, $0xF4240  }
0x20: {  	v11 =	vsel vm2, $0x0, v1;
	v12 =	vsel vm1, $0x0, v1;
	vm1 =	vlt.s32 v2, $0xF4240;
	v10 =	vld [tilespmem:s12+$0x0]  }
0x21: {  	v14 =	vsel vm0, $0x0, v1;
	v15 =	vsel vm3, $0x0, v1;
	v16 =	vsel vm4, $0x0, v1;
	v13 =	vld [tilespmem:s12+$0x10]  }
0x22: {  	v8 =	vadd.s32 v8, v11;
	v11 =	vsel vm5, $0x0, v1;
	v18 =	vsel vm1, $0x0, v1;
	v17 =	vld [tilespmem:s12+$0x20]  }
0x23: {  	v5 =	vadd.s32 v5, v12;
	v7 =	vadd.s32 v7, v14;
	v6 =	vadd.s32 v6, v15;
	v19 =	vld [tilespmem:s12+$0x30];
	[tilespmem:s11+$0x2800] =	vst v8  }
0x24: {  	v3 =	vadd.s32 v3, v16;
	v4 =	vadd.s32 v4, v11;
	v12 =	vld [tilespmem:s12+$0x40];
	vm0 =	vlt.s32 v9, $0x1E8480;
	[tilespmem:s11+$0x2810] =	vst v5  }
0x25: {  	v2 =	vadd.s32 v2, v18;
	vm1 =	vlt.s32 v10, $0x1E8480;
	v11 =	vld [tilespmem:s12+$0x50];
	v5 =	vsel vm0, $0x0, v0;
	[tilespmem:s11+$0x2820] =	vst v7  }
0x26: {  	v7 =	vsel vm1, $0x0, v0;
	vm0 =	vlt.s32 v13, $0x1E8480;
	v14 =	vld [tilespmem:s12+$0x60];
	v5 =	vadd.s32 v9, v5;
	[tilespmem:s11+$0x2830] =	vst v6  }
0x27: {  	v6 =	vsel vm0, $0x0, v0;
	vm0 =	vlt.s32 v17, $0x1E8480;
	vm1 =	vlt.s32 v5, $0xF4240;
	[tilespmem:s11+$0x2840] =	vst v3  }
0x28: {  	v3 =	vsel vm0, $0x0, v0;
	vm0 =	vlt.s32 v19, $0x1E8480;
	v8 =	vsel vm1, $0x0, v1;
	[tilespmem:s11+$0x2850] =	vst v4  }
0x29: {  	v4 =	vsel vm0, $0x0, v0;
	vm0 =	vlt.s32 v12, $0x1E8480;
	v5 =	vadd.s32 v5, v8;
	[tilespmem:s11+$0x2860] =	vst v2;
	s11 =	smov.u32 s12  }
.Ltmp0:
0x2a: {  	v8 =	vadd.s32 v10, v7;
	v2 =	vsel vm0, $0x0, v0;
	vm0 =	vlt.s32 v11, $0x1E8480;
	[tilespmem:s11+$0x2870] =	vst v5;
	(pc) =	sbr.rel @p0 .LBB2_2-.Ltmp0, $4  }
0x2b: {  	v5 =	vadd.s32 v13, v6;
	v9 =	vsel vm0, $0x0, v0;
	vm0 =	vlt.s32 v14, $0x1E8480  }
0x2c: {  	v7 =	vadd.s32 v17, v3;
	v6 =	vadd.s32 v19, v4;
	v10 =	vsel vm0, $0x0, v0  }
0x2d: {  	v3 =	vadd.s32 v12, v2;
	v4 =	vadd.s32 v11, v9;
	v2 =	vadd.s32 v14, v10  }
0x2e: {  	s12 =	sshra.s32 s13, $0x2;
	s13 =	sadd.s32 $0x200, s13;
	vm2 =	vlt.s32 v8, $0xF4240;
	vm1 =	vlt.s32 v5, $0xF4240;
	vm0 =	vlt.s32 v7, $0xF4240  }
0x2f: {  	v9 =	vld [tilespmem:s12+$0x70];
	vm3 =	vlt.s32 v6, $0xF4240;
	vm4 =	vlt.s32 v3, $0xF4240;
	v12 =	vsel vm2, $0x0, v1  }
0x30: {  	v10 =	vld [tilespmem:s12+$0x0];
	vm2 =	vlt.s32 v4, $0xF4240;
	v14 =	vsel vm1, $0x0, v1;
	vm1 =	vlt.s32 v2, $0xF4240  }
0x31: {  	v11 =	vld [tilespmem:s12+$0x10];
	v15 =	vsel vm0, $0x0, v1;
	v8 =	vadd.s32 v8, v12;
	v16 =	vsel vm3, $0x0, v1  }
0x32: {  	v13 =	vld [tilespmem:s12+$0x20];
	v17 =	vsel vm2, $0x0, v1;
	v5 =	vadd.s32 v5, v14;
	v18 =	vsel vm1, $0x0, v1  }
0x33: {  	v53 =	vld [tilespmem:s12+$0x30];
	v7 =	vadd.s32 v7, v15;
	[tilespmem:s11+$0x2800] =	vst v8;
	v8 =	vsel vm4, $0x0, v1;
	v6 =	vadd.s32 v6, v16  }
0x34: {  	v4 =	vadd.s32 v4, v17;
	v2 =	vadd.s32 v2, v18;
	vm0 =	vlt.s32 v9, $0x1E8480  }
0x35: {  	v54 =	vld [tilespmem:s12+$0x40];
	[tilespmem:s11+$0x2810] =	vst v5;
	v3 =	vadd.s32 v3, v8;
	vm1 =	vlt.s32 v10, $0x1E8480;
	v8 =	vsel vm0, $0x0, v0  }
0x36: {  	v5 =	vld [tilespmem:s12+$0x50];
	[tilespmem:s11+$0x2820] =	vst v7;
	v7 =	vsel vm1, $0x0, v0;
	vm0 =	vlt.s32 v11, $0x1E8480;
	v8 =	vadd.s32 v9, v8  }
0x37: {  	v55 =	vld [tilespmem:s12+$0x60];
	v9 =	vsel vm0, $0x0, v0;
	vm0 =	vlt.s32 v13, $0x1E8480;
	v7 =	vadd.s32 v10, v7  }
0x38: {  	vm1 =	vlt.s32 v8, $0xF4240;
	v56 =	vsel vm0, $0x0, v0;
	vm0 =	vlt.s32 v53, $0x1E8480  }
0x39: {  	[tilespmem:s11+$0x2830] =	vst v6;
	v6 =	vadd.s32 v11, v9;
	v57 =	vsel vm1, $0x0, v1;
	v58 =	vsel vm0, $0x0, v0  }
0x3a: {  	[tilespmem:s11+$0x2840] =	vst v3;
	vm0 =	vlt.s32 v54, $0x1E8480;
	v3 =	vadd.s32 v13, v56;
	vm1 =	vlt.s32 v6, $0xF4240  }
0x3b: {  	[tilespmem:s11+$0x2850] =	vst v4;
	v8 =	vadd.s32 v8, v57;
	v10 =	vsel vm0, $0x0, v0;
	vm0 =	vlt.s32 v5, $0x1E8480  }
0x3c: {  	[tilespmem:s11+$0x2860] =	vst v2;
	v11 =	vadd.s32 v53, v58;
	v9 =	vsel vm0, $0x0, v0;
	vm0 =	vlt.s32 v55, $0x1E8480  }
0x3d: {  	v4 =	vadd.s32 v54, v10;
	[tilespmem:s12+$0x2870] =	vst v8;
	v8 =	vsel vm1, $0x0, v1;
	vm1 =	vlt.s32 v11, $0xF4240  }
0x3e: {  	v59 =	vsel vm0, $0x0, v0;
	v5 =	vadd.s32 v5, v9;
	vm0 =	vlt.s32 v7, $0xF4240  }
0x3f: {  	v6 =	vadd.s32 v6, v8;
	v9 =	vsel vm0, $0x0, v1;
	vm0 =	vlt.s32 v3, $0xF4240  }
0x40: {  	v2 =	vadd.s32 v55, v59;
	[tilespmem:s12+$0x2810] =	vst v6;
	v7 =	vadd.s32 v7, v9;
	v9 =	vsel vm0, $0x0, v1  }
0x41: {  	vm0 =	vlt.s32 v4, $0xF4240;
	[tilespmem:s12+$0x2800] =	vst v7;
	v7 =	vsel vm1, $0x0, v1;
	v3 =	vadd.s32 v3, v9  }
0x42: {  	vm1 =	vlt.s32 v5, $0xF4240;
	v6 =	vsel vm0, $0x0, v1;
	v7 =	vadd.s32 v11, v7;
	[tilespmem:s12+$0x2820] =	vst v3  }
0x43: {  	vm0 =	vlt.s32 v2, $0xF4240;
	v3 =	vsel vm1, $0x0, v1;
	v4 =	vadd.s32 v4, v6;
	[tilespmem:s12+$0x2830] =	vst v7  }
0x44: {  	v6 =	vsel vm0, $0x0, v1;
	v3 =	vadd.s32 v5, v3;
	[tilespmem:s12+$0x2840] =	vst v4  }
0x45: {  	v2 =	vadd.s32 v2, v6;
	[tilespmem:s12+$0x2850] =	vst v3  }
0x46: {  	s31 =	simm.s32 $0x0;
	[tilespmem:s12+$0x2860] =	vst v2  }
0x47: {  	[hbm4b:s4+s31] =	stream.linear.scatter [tilespmem:s9], [sflag:$0x1], $0x2800, $0x38;
	[tilespmem:$0x5000] =	vst v63  }
0x48: {  	_ =	swait.ge [sflag:s8], $0x2800  }
0x49: {  	[sflag:s8] =	ssyncset.done $0x0  }
0x4a: {  	[sflag:s8] =	ssyncadd.s32 $0xFFFFD800  }
0x4b: {  	[tilespmem:s31], [sflag:$0x1] =	stream.linear.gather [hbm4b:s5+s31], $0x2800, $0x38;
	[tilespmem:$0x5000] =	vst v63  }
0x4c: {  	_ =	swait.ge [sflag:s8], $0x2800  }
0x4d: {  	[sflag:s8] =	ssyncset.done $0x0  }
0x4e: {  	s11 =	simm.s32 $0x0;
	[sflag:s8] =	ssyncadd.s32 $0xFFFFD800  }
0x4f: {  	v2 =	vld [tilespmem:s11+$0x70]  }
0x50: {  	v3 =	vld [tilespmem:s11+$0x0]  }
0x51: {  	v4 =	vld [tilespmem:s11+$0x10]  }
0x52: {  	v6 =	vld [tilespmem:s11+$0x20]  }
0x53: {  	v9 =	vld [tilespmem:s11+$0x30]  }
0x54: {  	v10 =	vld [tilespmem:s11+$0x40];
	vm0 =	vlt.s32 v2, $0x1E8480  }
0x55: {  	vm1 =	vlt.s32 v3, $0x1E8480;
	v5 =	vsel vm0, $0x0, v0  }
0x56: {  	v11 =	vld [tilespmem:s11+$0x50];
	v7 =	vsel vm1, $0x0, v0;
	vm0 =	vlt.s32 v4, $0x1E8480;
	v2 =	vadd.s32 v2, v5  }
0x57: {  	v60 =	vld [tilespmem:s11+$0x60];
	v5 =	vsel vm0, $0x0, v0;
	vm0 =	vlt.s32 v6, $0x1E8480;
	vm1 =	vlt.s32 v2, $0xF4240  }
0x58: {  	v61 =	vsel vm0, $0x0, v0;
	vm0 =	vlt.s32 v9, $0x1E8480;
	v5 =	vadd.s32 v4, v5  }
0x59: {  	v8 =	vsel vm1, $0x0, v1;
	v62 =	vsel vm0, $0x0, v0;
	vm0 =	vlt.s32 v10, $0x1E8480  }
0x5a: {  	vm1 =	vlt.s32 v5, $0xF4240;
	v63 =	vadd.s32 v2, v8;
	v8 =	vadd.s32 v3, v7  }
0x5b: {  	v2 =	vsel vm0, $0x0, v0;
	vm0 =	vlt.s32 v11, $0x1E8480;
	v7 =	vadd.s32 v6, v61  }
0x5c: {  	v6 =	vadd.s32 v9, v62;
	v4 =	vsel vm0, $0x0, v0;
	vm0 =	vlt.s32 v60, $0x1E8480  }
0x5d: {  	v3 =	vadd.s32 v10, v2;
	vm2 =	vlt.s32 v8, $0xF4240;
	v9 =	vsel vm0, $0x0, v0  }
0x5e: {  	s13 =	simm.s32 $0x400;
	s12 =	simm.s32 $0x80;
	[tilespmem:s11+$0x2870] =	vst v63;
	v4 =	vadd.s32 v11, v4;
	vm0 =	vlt.s32 v7, $0xF4240;
	v2 =	vadd.s32 v60, v9  }
.LBB2_4:
0x5f: {  	p0 =	sne.s32 s13, $0x9E00;
	v9 =	vld [tilespmem:s12+$0x70];
	vm3 =	vlt.s32 v6, $0xF4240;
	vm4 =	vlt.s32 v3, $0xF4240;
	vm5 =	vlt.s32 v4, $0xF4240  }
0x60: {  	v11 =	vsel vm2, $0x0, v1;
	v12 =	vsel vm1, $0x0, v1;
	vm1 =	vlt.s32 v2, $0xF4240;
	v10 =	vld [tilespmem:s12+$0x0]  }
0x61: {  	v14 =	vsel vm0, $0x0, v1;
	v15 =	vsel vm3, $0x0, v1;
	v16 =	vsel vm4, $0x0, v1;
	v13 =	vld [tilespmem:s12+$0x10]  }
0x62: {  	v8 =	vadd.s32 v8, v11;
	v11 =	vsel vm5, $0x0, v1;
	v18 =	vsel vm1, $0x0, v1;
	v17 =	vld [tilespmem:s12+$0x20]  }
0x63: {  	v5 =	vadd.s32 v5, v12;
	v7 =	vadd.s32 v7, v14;
	v6 =	vadd.s32 v6, v15;
	v19 =	vld [tilespmem:s12+$0x30];
	[tilespmem:s11+$0x2800] =	vst v8  }
0x64: {  	v3 =	vadd.s32 v3, v16;
	v4 =	vadd.s32 v4, v11;
	v12 =	vld [tilespmem:s12+$0x40];
	vm0 =	vlt.s32 v9, $0x1E8480;
	[tilespmem:s11+$0x2810] =	vst v5  }
0x65: {  	v2 =	vadd.s32 v2, v18;
	vm1 =	vlt.s32 v10, $0x1E8480;
	v11 =	vld [tilespmem:s12+$0x50];
	v5 =	vsel vm0, $0x0, v0;
	[tilespmem:s11+$0x2820] =	vst v7  }
0x66: {  	v7 =	vsel vm1, $0x0, v0;
	vm0 =	vlt.s32 v13, $0x1E8480;
	v14 =	vld [tilespmem:s12+$0x60];
	v5 =	vadd.s32 v9, v5;
	[tilespmem:s11+$0x2830] =	vst v6  }
0x67: {  	v6 =	vsel vm0, $0x0, v0;
	vm0 =	vlt.s32 v17, $0x1E8480;
	vm1 =	vlt.s32 v5, $0xF4240;
	[tilespmem:s11+$0x2840] =	vst v3  }
0x68: {  	v3 =	vsel vm0, $0x0, v0;
	vm0 =	vlt.s32 v19, $0x1E8480;
	v8 =	vsel vm1, $0x0, v1;
	[tilespmem:s11+$0x2850] =	vst v4  }
0x69: {  	v4 =	vsel vm0, $0x0, v0;
	vm0 =	vlt.s32 v12, $0x1E8480;
	v5 =	vadd.s32 v5, v8;
	[tilespmem:s11+$0x2860] =	vst v2;
	s11 =	smov.u32 s12  }
.Ltmp1:
0x6a: {  	v8 =	vadd.s32 v10, v7;
	v2 =	vsel vm0, $0x0, v0;
	vm0 =	vlt.s32 v11, $0x1E8480;
	[tilespmem:s11+$0x2870] =	vst v5;
	(pc) =	sbr.rel @p0 .LBB2_4-.Ltmp1, $4  }
0x6b: {  	v5 =	vadd.s32 v13, v6;
	v9 =	vsel vm0, $0x0, v0;
	vm0 =	vlt.s32 v14, $0x1E8480  }
0x6c: {  	v7 =	vadd.s32 v17, v3;
	v6 =	vadd.s32 v19, v4;
	v10 =	vsel vm0, $0x0, v0  }
0x6d: {  	v3 =	vadd.s32 v12, v2;
	v4 =	vadd.s32 v11, v9;
	v2 =	vadd.s32 v14, v10  }
0x6e: {  	s12 =	sshra.s32 s13, $0x2;
	s13 =	sadd.s32 $0x200, s13;
	vm2 =	vlt.s32 v8, $0xF4240;
	vm1 =	vlt.s32 v5, $0xF4240;
	vm0 =	vlt.s32 v7, $0xF4240  }
0x6f: {  	v9 =	vld [tilespmem:s12+$0x70]  }
0x70: {  	v10 =	vld [tilespmem:s12+$0x0]  }
0x71: {  	v11 =	vld [tilespmem:s12+$0x10];
	vm3 =	vlt.s32 v6, $0xF4240;
	vm4 =	vlt.s32 v3, $0xF4240;
	v12 =	vsel vm2, $0x0, v1  }
0x72: {  	v13 =	vld [tilespmem:s12+$0x20];
	vm10 =	vlt.s32 v4, $0xF4240;
	v14 =	vsel vm1, $0x0, v1;
	vm11 =	vlt.s32 v2, $0xF4240  }
0x73: {  	v40 =	vld [tilespmem:s12+$0x30];
	v15 =	vsel vm0, $0x0, v1;
	v8 =	vadd.s32 v8, v12;
	v16 =	vsel vm3, $0x0, v1  }
0x74: {  	v41 =	vsel vm4, $0x0, v1;
	v17 =	vsel vm10, $0x0, v1;
	v5 =	vadd.s32 v5, v14  }
0x75: {  	v18 =	vsel vm11, $0x0, v1;
	v7 =	vadd.s32 v7, v15;
	v43 =	vadd.s32 v6, v16  }
0x76: {  	[tilespmem:s11+$0x2800] =	vst v8;
	v3 =	vadd.s32 v3, v41;
	v44 =	vadd.s32 v4, v17;
	v2 =	vadd.s32 v2, v18  }
0x77: {  	v42 =	vld [tilespmem:s12+$0x40];
	vm12 =	vlt.s32 v9, $0x1E8480;
	vm13 =	vlt.s32 v10, $0x1E8480;
	vm14 =	vlt.s32 v11, $0x1E8480  }
0x78: {  	[tilespmem:s11+$0x2810] =	vst v5;
	vm15 =	vlt.s32 v13, $0x1E8480;
	vm5 =	vlt.s32 v40, $0x1E8480;
	v45 =	vsel vm12, $0x0, v0  }
0x79: {  	v5 =	vld [tilespmem:s12+$0x50];
	v46 =	vsel vm13, $0x0, v0;
	v48 =	vsel vm14, $0x0, v0;
	v49 =	vsel vm15, $0x0, v0  }
0x7a: {  	[tilespmem:s11+$0x2820] =	vst v7;
	v51 =	vsel vm5, $0x0, v0;
	v8 =	vadd.s32 v9, v45;
	v7 =	vadd.s32 v10, v46  }
0x7b: {  	v47 =	vld [tilespmem:s12+$0x60];
	[tilespmem:s11+$0x2840] =	vst v3;
	v53 =	vadd.s32 v11, v48;
	v3 =	vadd.s32 v13, v49;
	v55 =	vadd.s32 v40, v51  }
0x7c: {  	vm4 =	vlt.s32 v8, $0xF4240;
	vm6 =	vlt.s32 v42, $0x1E8480;
	vm9 =	vlt.s32 v7, $0xF4240  }
0x7d: {  	vm10 =	vlt.s32 v53, $0xF4240;
	vm11 =	vlt.s32 v3, $0xF4240;
	vm12 =	vlt.s32 v55, $0xF4240  }
0x7e: {  	[tilespmem:s11+$0x2830] =	vst v43;
	v50 =	vsel vm4, $0x0, v1;
	v52 =	vsel vm6, $0x0, v0;
	vm7 =	vlt.s32 v5, $0x1E8480  }
0x7f: {  	[tilespmem:s11+$0x2850] =	vst v44;
	v58 =	vsel vm9, $0x0, v1;
	v59 =	vsel vm10, $0x0, v1;
	v60 =	vsel vm11, $0x0, v1  }
0x80: {  	[tilespmem:s11+$0x2860] =	vst v2;
	v61 =	vsel vm12, $0x0, v1;
	v8 =	vadd.s32 v8, v50;
	v54 =	vsel vm7, $0x0, v0  }
0x81: {  	vm8 =	vlt.s32 v47, $0x1E8480;
	v57 =	vadd.s32 v42, v52;
	v7 =	vadd.s32 v7, v58;
	[tilespmem:s12+$0x2870] =	vst v8  }
0x82: {  	v6 =	vadd.s32 v53, v59;
	v3 =	vadd.s32 v3, v60;
	v56 =	vsel vm8, $0x0, v0;
	[tilespmem:s12+$0x2800] =	vst v7  }
0x83: {  	v5 =	vadd.s32 v5, v54;
	vm13 =	vlt.s32 v57, $0xF4240;
	[tilespmem:s12+$0x2810] =	vst v6;
	v7 =	vadd.s32 v55, v61  }
0x84: {  	[tilespmem:s12+$0x2820] =	vst v3;
	v2 =	vadd.s32 v47, v56;
	vm14 =	vlt.s32 v5, $0xF4240;
	v62 =	vsel vm13, $0x0, v1  }
0x85: {  	[tilespmem:s12+$0x2830] =	vst v7;
	vm15 =	vlt.s32 v2, $0xF4240;
	v3 =	vsel vm14, $0x0, v1;
	v4 =	vadd.s32 v57, v62  }
0x86: {  	s10 =	sadd.s32 $0x1, s10;
	v63 =	vsel vm15, $0x0, v1;
	v3 =	vadd.s32 v5, v3;
	[tilespmem:s12+$0x2840] =	vst v4  }
0x87: {  	p0 =	sne.s32 s10, s7;
	v2 =	vadd.s32 v2, v63;
	[tilespmem:s12+$0x2850] =	vst v3  }
.Ltmp2:
0x88: {  	[tilespmem:s12+$0x2860] =	vst v2;
	(pc) =	sbr.rel @p0 .LBB2_1-.Ltmp2, $4  }
0x89: {  	[hbm4b:s6+s2] =	stream.linear.scatter [tilespmem:s9], [sflag:$0x1], $0x2800, $0x38;
	[tilespmem:$0x5000] =	vst v63  }
0x8a: {  	_ =	swait.ge [sflag:s8], $0x2800  }
0x8b: {  	[sflag:s8] =	ssyncset.done $0x0  }
0x8c: {  	[sflag:s8] =	ssyncadd.s32 $0xFFFFD800  }
0x8d: {  	_ =	sfence.sel $0x180000  }
0x8e: {  	[bflag:$0x0] =	sbarrier.arrive $0xFFFF  }
0x8f: {  	p0 =	sne.s32 s0, $0x0;
	_ =	strace $0x90000047  }
0x90: {  	s0 =	sadd.s32 @!p0 $0x100000, s1;
	[bflag:$0x2] =	sbarrier.arrive $0xFFFF  }
0x91: {  	[sflag:s0] =	ssyncadd.tile.s32 @!p0 $0x1;
	_ =	shalt  }
.Lfunc_end2:
_tile_overlayer_lowered:
.L_overlay_start_2:
0x92: {  	(tag) =	ssettag $0x2  }
0x93: {  	s0 =	rddreg [dreg:$0x0];
	s2 =	stileid.u32  }
0x94: {  	s1 =	rddreg [dreg:$0x1];
	p0 =	sne.s32 s2, $0x0  }
0x95: {  	s3 =	rddreg [dreg:$0x2];
	[bflag:$0x3] =	sbarrier.arrive $0xFFFF;
	s2 =	simm.s32 @!p0 $0x1C01  }
0x96: {  	[timem:s3], [sflag:s2] =	dma.local @!p0 [hbm:s0], s1  }
0x97: {  	s0 =	simm.s32 @!p0 $0x1  }
0x98: {  	_ =	swait.ge @!p0 [sflag:s0], s1  }
0x99: {  	s1 =	ssub.s32 @!p0 $0x0, s1;
	[sflag:s0] =	ssyncset.done @!p0 $0x0  }
0x9a: {  	[sflag:s0] =	ssyncadd.s32 @!p0 s1  }
0x9b: {  	[bflag:$0x3] =	sbarrier.arrive $0xFFFF  }
0x9c: {  	_ =	shalt  }

// kernel: kernel.8.cloned.1.call-start
scs
__scs_entry_jumppad:
0x0: {  	(pc) =	sbr.rel $0x88, $3  }
0x1: {  	(tag) =	ssettag $0x0;
	lr =	simm.s32 $0x1  }
0x2: {  	[smem:$0x3F9E] =	sst lr;
	_ =	strace $0xD0000000  }
0x3: {  	_ = 	snop  }
0x4: {  	_ = 	snop  }
0x5: {  	_ = 	snop  }
0x6: {  	_ = 	snop  }
0x7: {  	_ = 	snop  }
__scs_overlays_trampoline_lowered:
0x8: {  	[smem:$0x3FAD] =	sst s0  }
0x9: {  	[smem:$0x3FAE] =	sst s1  }
0xa: {  	[smem:$0x3FAF] =	sst s2  }
0xb: {  	[smem:$0x3FB0] =	sst s3  }
0xc: {  	[smem:$0x3FB1] =	sst s4  }
0xd: {  	[smem:$0x3FB2] =	sst s5  }
0xe: {  	[smem:$0x3FB3] =	sst s6  }
0xf: {  	[smem:$0x3FB4] =	sst s7  }
0x10: {  	[smem:$0x3FB5] =	sst s8  }
0x11: {  	[smem:$0x3FB6] =	sst s9;
	s0 =	simm.s32 @!p0 $0x0  }
0x12: {  	s1 =	sld [smem:$0x3F9C];
	s0 =	simm.s32 @p0 $0x1  }
0x13: {  	[smem:$0x3FB7] =	sst s0;
	s0 =	simm.s32 @!p1 $0x0  }
0x14: {  	s2 =	sld [smem:$0x3F9B];
	s0 =	simm.s32 @p1 $0x1  }
0x15: {  	[smem:$0x3FB8] =	sst s0;
	s0 =	simm.s32 @!p2 $0x0  }
0x16: {  	s3 =	sld [smem:$0x3FDB];
	s0 =	simm.s32 @p2 $0x1  }
0x17: {  	s4 =	simm.s32 $0x1BF5;
	[smem:$0x3FBA] =	sst s0  }
0x18: {  	s0 =	sld [smem:$0x3F9D];
	_ =	swait.ge [sflag:s4], $0x0  }
0x19: {  	s7 =	sld [smem:$0x3F9E]  }
0x1a: {  	s8 =	sadd.s32 $0xFFFFE003, lr  }
0x1b: {  	s9 =	sadd.s32 $0xFFFFFEF7, lr;
	s5 =	simm.s32 $0xFFFFFFFF;
	p2 =	slt.u32 s8, $0xFFFFF086  }
0x1c: {  	p1 =	slt.u32 s9, $0xF7A;
	s5 =	simm.s32 @!p2 $0x0  }
0x1d: {  	s5 =	simm.s32 @p1 $0x1;
	p0 =	seq.s32 s7, s2  }
0x1e: {  	s7 =	smul.u32 @!p0 $0xF7A, s2;
	p2 =	seq.s32 @!p0 s5, $0x0  }
0x1f: {  	s9 =	smul.u32 $0xF7A, s1;
	s8 =	simm.s32 @!p0 $0x1BF5;
	p2 =	por !p2, p0  }
0x20: {  	[sflag:s8] =	ssyncset.s32 @!p0 $0xFFFFF086;
	s6 =	sadd.s32 @!p0 s3, s7;
	s7 =	simm.s32 @!p0 $0x108  }
0x21: {  	s3 =	sadd.s32 s3, s9;
	s6 =	sadd.s32 @!p0 $0x88, s6;
	s7 =	simm.s32 @p2 $0x1082  }
0x22: {  	[simem:s7], [sflag:s8] =	dma.local @!p0 [hbm:s6], $0xF7A  }
0x23: {  	s9 =	sor.u32 $0xD0000000, s2;
	s6 =	simm.s32 $0x108;
	_ =	swait.ge @!p0 [sflag:s8], $0x0  }
0x24: {  	s3 =	sadd.s32 $0x88, s3;
	s6 =	simm.s32 @!p1 $0x1082;
	[sflag:s4] =	ssyncset.s32 $0xFFFFF086  }
0x25: {  	[simem:s6], [sflag:s4] =	dma.local [hbm:s3], $0xF7A  }
0x26: {  	[smem:$0x3F9E] =	sst s1;
	(tag) =	ssettag s2;
	_ =	strace s9  }
0x27: {  	s1 =	sld [smem:$0x3FAE]  }
0x28: {  	s2 =	sld [smem:$0x3FAF]  }
0x29: {  	s4 =	sld [smem:$0x3FB1]  }
0x2a: {  	p0 =	seq.s32 s5, $0x0;
	s5 =	sld [smem:$0x3FB2]  }
0x2b: {  	s6 =	sld [smem:$0x3FB3]  }
0x2c: {  	s7 =	sld [smem:$0x3FB4]  }
0x2d: {  	s3 =	simm.s32 $0x108;
	s8 =	sld [smem:$0x3FB5]  }
0x2e: {  	s3 =	simm.s32 @!p0 $0x1082;
	s9 =	sld [smem:$0x3FB6]  }
0x2f: {  	lr =	sadd.s32 s0, s3;
	s0 =	sld [smem:$0x3FAD]  }
0x30: {  	s3 =	sld [smem:$0x3FB0]  }
0x31: {  	[smem:$0x3FB9] =	sst s10  }
0x32: {  	s10 =	sld [smem:$0x3FB7];
	_ =	sdelay $0x3  }
0x33: {  	p0 =	seq.s32 s10, $0x1;
	s10 =	sld [smem:$0x3FB9];
	_ =	sdelay $0x3  }
0x34: {  	[smem:$0x3FB9] =	sst s10  }
0x35: {  	s10 =	sld [smem:$0x3FB8];
	_ =	sdelay $0x3  }
0x36: {  	p1 =	seq.s32 s10, $0x1;
	s10 =	sld [smem:$0x3FB9];
	_ =	sdelay $0x3  }
0x37: {  	[smem:$0x3FB9] =	sst s10  }
0x38: {  	s10 =	sld [smem:$0x3FBA]  }
0x39: {  	_ = 	snop;
	(pc) =	sbr.ind lr, $3  }
0x3a: {  	_ = 	snop  }
0x3b: {  	_ = 	snop  }
0x3c: {  	p2 =	seq.s32 s10, $0x1;
	s10 =	sld [smem:$0x3FB9]  }
0x3d: {  	_ =	shalt  }
0x3e: {  	_ =	shalt  }
0x3f: {  	_ =	shalt  }
0x40: {  	_ =	shalt  }
0x41: {  	_ =	shalt  }
0x42: {  	_ =	shalt  }
0x43: {  	_ =	shalt  }
0x44: {  	_ =	shalt  }
0x45: {  	_ =	shalt  }
0x46: {  	_ =	shalt  }
0x47: {  	_ =	shalt  }
0x48: {  	_ =	shalt  }
0x49: {  	_ =	shalt  }
0x4a: {  	_ =	shalt  }
0x4b: {  	_ =	shalt  }
0x4c: {  	_ =	shalt  }
0x4d: {  	_ =	shalt  }
0x4e: {  	_ =	shalt  }
0x4f: {  	_ =	shalt  }
0x50: {  	_ =	shalt  }
0x51: {  	_ =	shalt  }
0x52: {  	_ =	shalt  }
0x53: {  	_ =	shalt  }
0x54: {  	_ =	shalt  }
0x55: {  	_ =	shalt  }
0x56: {  	_ =	shalt  }
0x57: {  	_ =	shalt  }
0x58: {  	_ =	shalt  }
0x59: {  	_ =	shalt  }
0x5a: {  	_ =	shalt  }
0x5b: {  	_ =	shalt  }
0x5c: {  	_ =	shalt  }
0x5d: {  	_ =	shalt  }
0x5e: {  	_ =	shalt  }
0x5f: {  	_ =	shalt  }
0x60: {  	_ =	shalt  }
0x61: {  	_ =	shalt  }
0x62: {  	_ =	shalt  }
0x63: {  	_ =	shalt  }
0x64: {  	_ =	shalt  }
0x65: {  	_ =	shalt  }
0x66: {  	_ =	shalt  }
0x67: {  	_ =	shalt  }
0x68: {  	_ =	shalt  }
0x69: {  	_ =	shalt  }
0x6a: {  	_ =	shalt  }
0x6b: {  	_ =	shalt  }
0x6c: {  	_ =	shalt  }
0x6d: {  	_ =	shalt  }
0x6e: {  	_ =	shalt  }
0x6f: {  	_ =	shalt  }
0x70: {  	_ =	shalt  }
0x71: {  	_ =	shalt  }
0x72: {  	_ =	shalt  }
0x73: {  	_ =	shalt  }
0x74: {  	_ =	shalt  }
0x75: {  	_ =	shalt  }
0x76: {  	_ =	shalt  }
0x77: {  	_ =	shalt  }
0x78: {  	_ =	shalt  }
0x79: {  	_ =	shalt  }
0x7a: {  	_ =	shalt  }
0x7b: {  	_ =	shalt  }
0x7c: {  	_ =	shalt  }
0x7d: {  	_ =	shalt  }
0x7e: {  	_ =	shalt  }
0x7f: {  	_ =	shalt  }
0x80: {  	_ =	shalt  }
0x81: {  	_ =	shalt  }
0x82: {  	_ =	shalt  }
0x83: {  	_ =	shalt  }
0x84: {  	_ =	shalt  }
0x85: {  	_ =	shalt  }
0x86: {  	_ =	shalt  }
0x87: {  	_ =	shalt  }
.Lfunc_end0:
.L_simem_size_0:
called_computation.1_lowered:
.L_overlay_start_0:
0x88: {  	s2 =	sld [smem:$0x3FD9]  }
0x89: {  	s3 =	sld [smem:$0x3FFE];
	_ =	sdelay $0x1  }
0x8a: {  	s1 =	srdreg.scid  }
0x8b: {  	s0 =	sand.u32 $0x1, s1  }
0x8c: {  	s14 =	sshll.u32 s0, $0xA;
	s2 =	sadd.s32 s3, s2  }
0x8d: {  	s2 =	sadd.s32 s2, s14  }
0x8e: {  	[smem:$0x3FC5] =	sst s2  }
0x8f: {  	_ = 	snop  }
0x90: {  	s2 =	sld [smem:$0x3FD0];
	_ =	sdelay $0x2  }
0x91: {  	s15 =	simm.s32 $0xA;
	s4 =	simm.s32 $0x10  }
0x92: {  	[smem:s4], [sflag:s15] =	dma.local [hbm:s2], $0x1  }
0x93: {  	_ =	swait.eq [sflag:s15], $0x1  }
0x94: {  	[sflag:s15] =	ssyncset.done $0x0  }
0x95: {  	s16 =	sld [smem:$0x11];
	[sflag:s15] =	ssyncadd.s32 $0xFFFFFFFF  }
0x96: {  	s17 =	sld [smem:$0x12];
	(tm) =	ssettm $0x1  }
0x97: {  	s18 =	sld [smem:$0x3FFB];
	_ =	sdelay $0x3  }
0x98: {  	_ =	strace s18  }
0x99: {  	s4 =	sld [smem:$0x3FFC];
	_ =	sdelay $0x3  }
0x9a: {  	_ =	strace s4  }
0x9b: {  	s4 =	sld [smem:$0x3FFD];
	_ =	sdelay $0x3  }
0x9c: {  	_ =	strace s4  }
0x9d: {  	_ =	strace $0x8FFFFFFF  }
0x9e: {  	s19 =	sld [smem:$0x3FDB];
	_ =	sdelay $0x1  }
0x9f: {  	s5 =	simm.s32 $_scs_section_size  }
0xa0: {  	s6 =	simm.s32 $_size__tile_overlayer_lowered;
	s7 =	simm.s32 $_tile_overlayer_lowered  }
0xa1: {  	s22 =	simm.s32 $0x1BFF;
	s21 =	sshll.u32 s7, $0x1;
	s4 =	sadd.s32 s5, s19  }
0xa2: {  	s8 =	simm.s32 $0x0;
	s20 =	sshll.u32 s6, $0x1;
	s6 =	sadd.s32 s21, s4  }
0xa3: {  	[timem:s8], [sflag:s22] =	dma.local [hbm:s6], s20  }
0xa4: {  	_ =	swait.ge [sflag:s22], s20  }
0xa5: {  	s5 =	ssub.s32 $0x0, s20;
	[sflag:s22] =	ssyncset.done $0x0  }
0xa6: {  	[sflag:s22] =	ssyncadd.s32 s5;
	_ =	sdelay $0x1  }
0xa7: {  	s23 =	simm.s32 $0x1B8B  }
0xa8: {  	_ =	swait.ge [sflag:s23], $0x1  }
0xa9: {  	[sflag:s23] =	ssyncset.done $0x0  }
0xaa: {  	s25 =	simm.s32 $0x1B8E;
	s24 =	sld [smem:$0x3FFE];
	[sflag:s23] =	ssyncadd.s32 $0xFFFFFFFF  }
0xab: {  	s26 =	simm.s32 $execute0_lowered;
	[smem:$0x3FD2] =	sst s25  }
0xac: {  	s6 =	sshll.u32 s26, $0x1;
	_ =	strace $0x80000049;
	[dreg:$0x1] =	wrdreg $0xFFFFFFFF  }
0xad: {  	s28 =	simm.s32 $_size_execute0_lowered;
	s4 =	sadd.s32 s4, s6;
	[dreg:$0x0] =	wrdreg $0x0  }
0xae: {  	s6 =	sshll.u32 s28, $0x1;
	[dreg:$0x2] =	wrdreg s4  }
0xaf: {  	[dreg:$0x3] =	wrdreg s6  }
0xb0: {  	[dreg:$0x4] =	wrdreg $0xC0  }
0xb1: {  	_ =	task [dreg:s8], $0x5FFFF  }
0xb2: {  	[dreg:$0x1] =	wrdreg $0xFFFFFFFF  }
0xb3: {  	[dreg:$0x0] =	wrdreg $0x60  }
0xb4: {  	[dreg:$0x2] =	wrdreg s16  }
0xb5: {  	[dreg:$0x3] =	wrdreg s17  }
0xb6: {  	[dreg:$0x4] =	wrdreg s24  }
0xb7: {  	[dreg:$0x5] =	wrdreg $0x54100  }
0xb8: {  	[dreg:$0x6] =	wrdreg $0x9  }
0xb9: {  	_ =	task.clear_ibuf [dreg:s8], $0x7FFFF;
	_ =	strace $0x90000049  }
0xba: {  	s29 =	simm.s32 $0x9;
	_ =	strace $0x8000004B  }
0xbb: {  	_ =	swait.ge [sflag:s29], $0x1  }
0xbc: {  	[sflag:s29] =	ssyncadd.s32 $0xFFFFFFFF  }
0xbd: {  	_ =	strace $0x9000004B  }
0xbe: {  	_ =	sfence  }
0xbf: {  	s30 =	sld [smem:$0x0];
	_ =	sdelay $0x2  }
0xc0: {  	s31 =	sshll.u32 s1, $0xD;
	s1 =	sshrl.u32 s1, $0x2  }
0xc1: {  	s3 =	sand.u32 $0x4000, s31;
	s1 =	sadd.s32 s1, s30  }
0xc2: {  	s0 =	sor.u32 s3, s0;
	s1 =	sshll.u32 s1, $0x11  }
0xc3: {  	s0 =	sor.u32 s1, s0  }
0xc4: {  	s0 =	sadd.s32 $0x8F2B, s0  }
0xc5: {  	[sflag:s0] =	ssyncadd.remote.s32 $0x1  }
0xc6: {  	_ =	sfence.sel $0xFFFF  }
0xc7: {  	[dreg:$0x0] =	wrdreg $0xFFFFFFFF;
	(pc) =	sbr.abs _section_cstart, $3  }
0xc8: {  	[dreg:$0x1] =	wrdreg $0xFFFFFFFF  }
0xc9: {  	_ =	task.clear_ibuf [dreg:s8], $0x2FFFF;
	_ =	strace $0x9FFFFFFF  }
0xca: {  	(tm) =	ssettm $0x7FFFFFFF  }
0xcb: {  	_ =	shalt  }
tec
execute0_lowered:
.L_overlay_start_1:
0x0: {  	(tag) =	ssettag $0x1  }
0x1: {  	s0 =	rddreg [dreg:$0x0]  }
0x2: {  	s2 =	rddreg [dreg:$0x1]  }
0x3: {  	s4 =	rddreg [dreg:$0x2]  }
0x4: {  	s1 =	rddreg [dreg:$0x3];
	s3 =	simm.s32 $0x0;
	s5 =	srdreg.scid  }
0x5: {  	s7 =	stileid.u32;
	s15 =	simm.s32 $0x80;
	s28 =	simm.s32 $0x5300  }
0x6: {  	s29 =	simm.s32 $0x380;
	s30 =	simm.s32 $0x5380;
	s31 =	simm.s32 $0x1  }
0x7: {  	s14 =	simm.s32 $0x4;
	s16 =	simm.s32 $0x5;
	s17 =	simm.s32 $0x6  }
0x8: {  	s18 =	simm.s32 $0x7;
	s19 =	simm.s32 $0x8;
	s20 =	simm.s32 $0x5400  }
0x9: {  	s21 =	simm.s32 $0x0;
	[smem:$0x7FF] =	sst s3;
	s5 =	sand.u32 $0x1, s5  }
0xa: {  	s6 =	sshll.u32 s7, $0x1;
	s7 =	smul.u32 $0xF800, s7;
	s8 =	sadd.s32 $0xA00, s4  }
0xb: {  	_ =	strace $0x8000004A;
	s6 =	sor.u32 s5, s6;
	s5 =	ssub.s32 $0x2, s5  }
0xc: {  	s9 =	sshll.u32 s6, $0x1;
	s10 =	sshrl.u32 s5, $0x1;
	s24 =	sadd.s32 $0x7C00, s7  }
0xd: {  	s25 =	sshrl.u32 s7, $0x3;
	s13 =	smul.u32 $0x500, s6;
	s11 =	sadd.s32 s9, s4  }
.Ltmp0:
0xe: {  	s12 =	ssub.s32 s5, s10;
	s26 =	sshrl.u32 s24, $0x3;
	(pc) =	sbr.rel .LBB2_1-.Ltmp0, $4  }
0xf: {  	s4 =	sadd.s32 s8, s25;
	s5 =	sadd.s32 s7, s1;
	s7 =	sadd.s32 s24, s1  }
0x10: {  	s6 =	sadd.s32 s8, s26;
	s8 =	sadd.s32 s0, s13;
	s9 =	sadd.s32 s2, s13  }
0x11: {  	s10 =	sadd.s32 $0x1FA00, s11;
	s11 =	smax.u32 s12, $0x1;
	s12 =	simm.s32 $0x14C10  }
0x12: {  	s13 =	simm.s32 $0x9;
	s0 =	simm.s32 $0x2;
	s2 =	simm.s32 $0x3  }
.LBB2_4:
0x13: {  	v0 =	vadd.f32 v0, v1;
	s21 =	sadd.s32 $0x1, s21  }
0x14: {  	p0 =	sne.s32 s21, s11  }
.Ltmp1:
0x15: {  	[tilespmem:$0x5400] =	vst v0;
	(pc) =	sbr.rel @!p0 .LBB2_5-.Ltmp1, $4  }
0x16: {  	[hbm4b:s10+s3] =	stream.linear.scatter [tilespmem:s20], [sflag:$0x9], $0x10, $0x38;
	[tilespmem:$0x1C810] =	vst v63  }
0x17: {  	_ =	swait.ge [sflag:s13], $0x10  }
0x18: {  	[sflag:s13] =	ssyncset.done $0x0  }
0x19: {  	[sflag:s13] =	ssyncadd.s32 $0xFFFFFFF0  }
.LBB2_1:
0x1a: {  	[tilespmem:s12], [sflag:$0x9] =	stream.linear.gather [hbm4b:s4+s3], $0x7C00, $0x38;
	[tilespmem:$0x1C810] =	vst v63  }
0x1b: {  	_ =	swait.ge [sflag:s13], $0x7C00  }
0x1c: {  	[sflag:s13] =	ssyncset.done $0x0  }
0x1d: {  	[sflag:s13] =	ssyncadd.s32 $0xFFFF8400  }
0x1e: {  	[spmem:s5] =	stream.linear.scatter [tilespmem:s12], [sflag:$0x9], $0x7C00, $0x38;
	[tilespmem:$0x1C810] =	vst v63  }
0x1f: {  	_ =	swait.ge [sflag:s13], $0x7C00  }
0x20: {  	[sflag:s13] =	ssyncset.done $0x0  }
0x21: {  	[sflag:s13] =	ssyncadd.s32 $0xFFFF8400  }
0x22: {  	[tilespmem:s12], [sflag:$0x9] =	stream.linear.gather [hbm4b:s6+s3], $0x7C00, $0x38;
	[tilespmem:$0x1C810] =	vst v63  }
0x23: {  	_ =	swait.ge [sflag:s13], $0x7C00  }
0x24: {  	[sflag:s13] =	ssyncset.done $0x0  }
0x25: {  	[sflag:s13] =	ssyncadd.s32 $0xFFFF8400  }
0x26: {  	[spmem:s7] =	stream.linear.scatter [tilespmem:s12], [sflag:$0x9], $0x7C00, $0x38;
	[tilespmem:$0x1C810] =	vst v63  }
0x27: {  	_ =	swait.ge [sflag:s13], $0x7C00  }
0x28: {  	[sflag:s13] =	ssyncset.done $0x0  }
0x29: {  	[sflag:s13] =	ssyncadd.s32 $0xFFFF8400  }
0x2a: {  	[tilespmem:s3], [sflag:$0x9] =	stream.linear.gather [hbm4b:s8+s3], $0x2800, $0x38;
	[tilespmem:$0x1C810] =	vst v63  }
0x2b: {  	_ =	swait.ge [sflag:s13], $0x2800  }
0x2c: {  	[sflag:s13] =	ssyncset.done $0x0  }
0x2d: {  	s22 =	simm.s32 $0x2800;
	[sflag:s13] =	ssyncadd.s32 $0xFFFFD800  }
0x2e: {  	[tilespmem:s22], [sflag:$0x9] =	stream.linear.gather [hbm4b:s9+s3], $0x2800, $0x38;
	[tilespmem:$0x1C810] =	vst v63  }
0x2f: {  	_ =	swait.ge [sflag:s13], $0x2800  }
0x30: {  	[sflag:s13] =	ssyncset.done $0x0  }
0x31: {  	[sflag:s13] =	ssyncadd.s32 $0xFFFFD800  }
0x32: {  	s24 =	simm.s32 $0x5000;
	[bflag:$0x0] =	sbarrier.arrive $0xFFFF  }
0x33: {  	[tilespmem:s24], [sflag:$0x1] =	stream.indirect.gather [spmem:s1], $0x1, s3, s15, $0xb8;
	[tilespmem:$0x1C810] =	vst v63  }
0x34: {  	s25 =	simm.s32 $0x5080  }
0x35: {  	[tilespmem:s25], [sflag:$0x2] =	stream.indirect.gather [spmem:s1], $0x1, s15, s15, $0xb8;
	[tilespmem:$0x1C810] =	vst v63  }
0x36: {  	s26 =	simm.s32 $0x100;
	s23 =	simm.s32 $0x5100  }
0x37: {  	[tilespmem:s23], [sflag:$0x3] =	stream.indirect.gather [spmem:s1], $0x1, s26, s15, $0xb8;
	[tilespmem:$0x1C810] =	vst v63  }
0x38: {  	s24 =	simm.s32 $0x5180;
	s23 =	simm.s32 $0x180  }
0x39: {  	[tilespmem:s24], [sflag:$0x4] =	stream.indirect.gather [spmem:s1], $0x1, s23, s15, $0xb8;
	[tilespmem:$0x1C810] =	vst v63  }
0x3a: {  	s25 =	simm.s32 $0x200;
	s26 =	simm.s32 $0x5200  }
0x3b: {  	[tilespmem:s26], [sflag:$0x5] =	stream.indirect.gather [spmem:s1], $0x1, s25, s15, $0xb8;
	[tilespmem:$0x1C810] =	vst v63  }
0x3c: {  	s24 =	simm.s32 $0x280;
	s25 =	simm.s32 $0x5280  }
0x3d: {  	[tilespmem:s25], [sflag:$0x6] =	stream.indirect.gather [spmem:s1], $0x1, s24, s15, $0xb8;
	[tilespmem:$0x1C810] =	vst v63  }
0x3e: {  	s26 =	simm.s32 $0x300  }
0x3f: {  	[tilespmem:s28], [sflag:$0x7] =	stream.indirect.gather [spmem:s1], $0x1, s26, s15, $0xb8;
	[tilespmem:$0x1C810] =	vst v63  }
0x40: {  	s22 =	simm.s32 $0x0  }
0x41: {  	v0 =	vimm.f32 $0.0e+00;
	v1 =	vimm.f32 $0.0e+00;
	[tilespmem:s30], [sflag:$0x8] =	stream.indirect.gather [spmem:s1], $0x1, s29, s15, $0xb8;
	[tilespmem:$0x1C810] =	vst v63  }
.LBB2_2:
0x42: {  	_ =	swait.ge [sflag:s31], $0x80  }
0x43: {  	[sflag:s31] =	ssyncset.done $0x0  }
0x44: {  	[sflag:s31] =	ssyncadd.s32 $0xFFFFFF80  }
0x45: {  	v2 =	vld [tilespmem:$0x5000]  }
0x46: {  	v3 =	vld [tilespmem:$0x5020]  }
0x47: {  	v4 =	vld [tilespmem:$0x5040]  }
0x48: {  	v5 =	vld [tilespmem:$0x5060]  }
0x49: {  	p0 =	seq.s32 s22, $0x13000;
	v6 =	vld [tilespmem:$0x5010]  }
0x4a: {  	s24 =	sshra.s32 @!p0 s22, $0x2;
	v7 =	vld [tilespmem:$0x5030]  }
0x4b: {  	s23 =	simm.s32 @!p0 $0x80;
	s26 =	simm.s32 @!p0 $0x5000;
	s25 =	sadd.s32 @!p0 $0x400, s24;
	v8 =	vld [tilespmem:$0x5050]  }
0x4c: {  	v9 =	vld [tilespmem:$0x5070];
	[tilespmem:s26], [sflag:$0x1] =	stream.indirect.gather @!p0 [spmem:s1], $0x1, s25, s23, $0xb8  }
0x4d: {  	_ =	swait.ge [sflag:s0], $0x80  }
0x4e: {  	[sflag:s0] =	ssyncset.done $0x0  }
0x4f: {  	[sflag:s0] =	ssyncadd.s32 $0xFFFFFF80  }
0x50: {  	v10 =	vld [tilespmem:$0x5080]  }
0x51: {  	v11 =	vld [tilespmem:$0x50A0]  }
0x52: {  	v12 =	vld [tilespmem:$0x50C0]  }
0x53: {  	v13 =	vld [tilespmem:$0x50E0]  }
0x54: {  	v14 =	vld [tilespmem:$0x5090]  }
0x55: {  	v15 =	vld [tilespmem:$0x50B0]  }
0x56: {  	s25 =	sadd.s32 @!p0 $0x480, s24;
	s26 =	simm.s32 @!p0 $0x5080;
	v16 =	vld [tilespmem:$0x50D0]  }
0x57: {  	v17 =	vld [tilespmem:$0x50F0];
	[tilespmem:s26], [sflag:$0x2] =	stream.indirect.gather @!p0 [spmem:s1], $0x1, s25, s23, $0xb8  }
0x58: {  	_ =	swait.ge [sflag:s2], $0x80  }
0x59: {  	[sflag:s2] =	ssyncset.done $0x0  }
0x5a: {  	[sflag:s2] =	ssyncadd.s32 $0xFFFFFF80  }
0x5b: {  	v18 =	vld [tilespmem:$0x5100]  }
0x5c: {  	v19 =	vld [tilespmem:$0x5120]  }
0x5d: {  	v20 =	vld [tilespmem:$0x5140]  }
0x5e: {  	v21 =	vld [tilespmem:$0x5160]  }
0x5f: {  	v22 =	vld [tilespmem:$0x5110]  }
0x60: {  	v1 =	vadd.f32 v2, v1;
	v0 =	vadd.f32 v6, v0;
	v23 =	vld [tilespmem:$0x5130]  }
0x61: {  	s25 =	sadd.s32 @!p0 $0x500, s24;
	s26 =	simm.s32 @!p0 $0x5100;
	v24 =	vld [tilespmem:$0x5150]  }
0x62: {  	v1 =	vadd.f32 v3, v1;
	v0 =	vadd.f32 v7, v0;
	v25 =	vld [tilespmem:$0x5170];
	[tilespmem:s26], [sflag:$0x3] =	stream.indirect.gather @!p0 [spmem:s1], $0x1, s25, s23, $0xb8  }
0x63: {  	_ =	swait.ge [sflag:s14], $0x80  }
0x64: {  	v1 =	vadd.f32 v4, v1;
	v0 =	vadd.f32 v8, v0;
	[sflag:s14] =	ssyncset.done $0x0  }
0x65: {  	[sflag:s14] =	ssyncadd.s32 $0xFFFFFF80  }
0x66: {  	v1 =	vadd.f32 v5, v1;
	v0 =	vadd.f32 v9, v0;
	v2 =	vld [tilespmem:$0x5180]  }
0x67: {  	v3 =	vld [tilespmem:$0x51A0]  }
0x68: {  	v33 =	vld [tilespmem:$0x51C0];
	v1 =	vadd.f32 v10, v1;
	v0 =	vadd.f32 v14, v0  }
0x69: {  	v34 =	vld [tilespmem:$0x51E0]  }
0x6a: {  	v35 =	vld [tilespmem:$0x5190];
	v1 =	vadd.f32 v11, v1;
	v0 =	vadd.f32 v15, v0  }
0x6b: {  	v36 =	vld [tilespmem:$0x51B0]  }
0x6c: {  	s25 =	sadd.s32 @!p0 $0x580, s24;
	s26 =	simm.s32 @!p0 $0x5180;
	v37 =	vld [tilespmem:$0x51D0];
	v1 =	vadd.f32 v12, v1;
	v0 =	vadd.f32 v16, v0  }
0x6d: {  	v38 =	vld [tilespmem:$0x51F0];
	[tilespmem:s26], [sflag:$0x4] =	stream.indirect.gather @!p0 [spmem:s1], $0x1, s25, s23, $0xb8  }
0x6e: {  	_ =	swait.ge [sflag:s16], $0x80;
	v1 =	vadd.f32 v13, v1;
	v0 =	vadd.f32 v17, v0  }
0x6f: {  	[sflag:s16] =	ssyncset.done $0x0  }
0x70: {  	[sflag:s16] =	ssyncadd.s32 $0xFFFFFF80;
	v1 =	vadd.f32 v18, v1;
	v0 =	vadd.f32 v22, v0  }
0x71: {  	v39 =	vld [tilespmem:$0x5200]  }
0x72: {  	v40 =	vld [tilespmem:$0x5220];
	v1 =	vadd.f32 v19, v1;
	v0 =	vadd.f32 v23, v0  }
0x73: {  	v41 =	vld [tilespmem:$0x5240]  }
0x74: {  	v42 =	vld [tilespmem:$0x5260];
	v1 =	vadd.f32 v20, v1;
	v0 =	vadd.f32 v24, v0  }
0x75: {  	v43 =	vld [tilespmem:$0x5210]  }
0x76: {  	v44 =	vld [tilespmem:$0x5230];
	v1 =	vadd.f32 v21, v1;
	v0 =	vadd.f32 v25, v0  }
0x77: {  	s25 =	sadd.s32 @!p0 $0x600, s24;
	s26 =	simm.s32 @!p0 $0x5200;
	v45 =	vld [tilespmem:$0x5250]  }
0x78: {  	v46 =	vld [tilespmem:$0x5270];
	[tilespmem:s26], [sflag:$0x5] =	stream.indirect.gather @!p0 [spmem:s1], $0x1, s25, s23, $0xb8;
	v1 =	vadd.f32 v2, v1;
	v0 =	vadd.f32 v35, v0  }
0x79: {  	_ =	swait.ge [sflag:s17], $0x80  }
0x7a: {  	[sflag:s17] =	ssyncset.done $0x0;
	v1 =	vadd.f32 v3, v1;
	v0 =	vadd.f32 v36, v0  }
0x7b: {  	[sflag:s17] =	ssyncadd.s32 $0xFFFFFF80  }
0x7c: {  	v47 =	vld [tilespmem:$0x52C0];
	v1 =	vadd.f32 v33, v1;
	v0 =	vadd.f32 v37, v0  }
0x7d: {  	v48 =	vld [tilespmem:$0x52E0]  }
0x7e: {  	v49 =	vld [tilespmem:$0x5290];
	v1 =	vadd.f32 v34, v1;
	v0 =	vadd.f32 v38, v0  }
0x7f: {  	v50 =	vld [tilespmem:$0x52B0]  }
0x80: {  	v51 =	vld [tilespmem:$0x52D0];
	v1 =	vadd.f32 v39, v1;
	v0 =	vadd.f32 v43, v0  }
0x81: {  	v52 =	vld [tilespmem:$0x52F0]  }
0x82: {  	s25 =	sadd.s32 @!p0 $0x680, s24;
	s26 =	simm.s32 @!p0 $0x5280;
	v2 =	vld [tilespmem:$0x5280];
	v1 =	vadd.f32 v40, v1;
	v0 =	vadd.f32 v44, v0  }
0x83: {  	v3 =	vld [tilespmem:$0x52A0];
	[tilespmem:s26], [sflag:$0x6] =	stream.indirect.gather @!p0 [spmem:s1], $0x1, s25, s23, $0xb8  }
0x84: {  	_ =	swait.ge [sflag:s18], $0x80;
	v1 =	vadd.f32 v41, v1;
	v0 =	vadd.f32 v45, v0  }
0x85: {  	[sflag:s18] =	ssyncset.done $0x0  }
0x86: {  	[sflag:s18] =	ssyncadd.s32 $0xFFFFFF80;
	v1 =	vadd.f32 v42, v1;
	v0 =	vadd.f32 v46, v0  }
0x87: {  	v53 =	vld [tilespmem:$0x5300]  }
0x88: {  	v54 =	vld [tilespmem:$0x5320];
	v1 =	vadd.f32 v2, v1;
	v0 =	vadd.f32 v49, v0  }
0x89: {  	v55 =	vld [tilespmem:$0x5360]  }
0x8a: {  	v56 =	vld [tilespmem:$0x5330];
	v1 =	vadd.f32 v3, v1;
	v0 =	vadd.f32 v50, v0  }
0x8b: {  	v3 =	vld [tilespmem:$0x5310]  }
0x8c: {  	v57 =	vld [tilespmem:$0x5350];
	v1 =	vadd.f32 v47, v1;
	v0 =	vadd.f32 v51, v0  }
0x8d: {  	s24 =	sadd.s32 @!p0 $0x700, s24;
	s25 =	simm.s32 @!p0 $0x5300;
	v58 =	vld [tilespmem:$0x5370]  }
0x8e: {  	v2 =	vld [tilespmem:$0x5340];
	[tilespmem:s25], [sflag:$0x7] =	stream.indirect.gather @!p0 [spmem:s1], $0x1, s24, s23, $0xb8;
	v1 =	vadd.f32 v48, v1;
	v0 =	vadd.f32 v52, v0  }
0x8f: {  	_ =	swait.ge [sflag:s19], $0x80  }
0x90: {  	[sflag:s19] =	ssyncset.done $0x0;
	v1 =	vadd.f32 v53, v1;
	v0 =	vadd.f32 v3, v0  }
0x91: {  	[sflag:s19] =	ssyncadd.s32 $0xFFFFFF80  }
0x92: {  	v59 =	vld [tilespmem:$0x5390];
	v1 =	vadd.f32 v54, v1;
	v0 =	vadd.f32 v56, v0  }
0x93: {  	v3 =	vld [tilespmem:$0x5380]  }
0x94: {  	v60 =	vld [tilespmem:$0x53B0];
	v1 =	vadd.f32 v2, v1;
	v0 =	vadd.f32 v57, v0  }
0x95: {  	v2 =	vld [tilespmem:$0x53A0]  }
0x96: {  	v61 =	vld [tilespmem:$0x53C0];
	v1 =	vadd.f32 v55, v1;
	v0 =	vadd.f32 v58, v0  }
0x97: {  	v62 =	vld [tilespmem:$0x53D0]  }
0x98: {  	v63 =	vld [tilespmem:$0x53F0];
	v1 =	vadd.f32 v3, v1;
	v0 =	vadd.f32 v59, v0  }
0x99: {  	v3 =	vld [tilespmem:$0x53E0]  }
0x9a: {  	v1 =	vadd.f32 v2, v1;
	v0 =	vadd.f32 v60, v0  }
.Ltmp2:
0x9b: {  	_ = 	snop;
	(pc) =	sbr.rel @p0 .LBB2_4-.Ltmp2, $2  }
0x9c: {  	v1 =	vadd.f32 v61, v1;
	v0 =	vadd.f32 v62, v0;
	_ =	sdelay $0x1  }
0x9d: {  	v1 =	vadd.f32 v3, v1;
	v0 =	vadd.f32 v63, v0;
	_ =	sdelay $0x1  }
.Ltmp3:
0x9e: {  	(pc) =	sbr.rel .LBB2_2-.Ltmp3, $4  }
0x9f: {  	_ = 	snop  }
0xa0: {  	s23 =	sshra.s32 s22, $0x2  }
0xa1: {  	s22 =	sadd.s32 $0x1000, s22;
	s23 =	sadd.s32 $0x780, s23  }
0xa2: {  	[tilespmem:s30], [sflag:$0x8] =	stream.indirect.gather [spmem:s1], $0x1, s23, s15, $0xb8;
	[tilespmem:$0x1C810] =	vst v63  }
.LBB2_5:
0xa3: {  	_ =	sfence.sel $0x180000  }
0xa4: {  	[bflag:$0x0] =	sbarrier.arrive $0xFFFF  }
0xa5: {  	_ =	strace $0x9000004A  }
0xa6: {  	s0 =	stileid.u32;
	[bflag:$0x2] =	sbarrier.arrive $0xFFFF  }
0xa7: {  	p0 =	sne.s32 s0, $0x0;
	s0 =	rddreg [dreg:$0x4]  }
0xa8: {  	s0 =	sadd.s32 @!p0 $0x100000, s0  }
0xa9: {  	[sflag:s0] =	ssyncadd.tile.s32 @!p0 $0x1;
	_ =	shalt  }
.Lfunc_end2:
_tile_overlayer_lowered:
.L_overlay_start_2:
0xaa: {  	(tag) =	ssettag $0x2  }
0xab: {  	s0 =	rddreg [dreg:$0x0];
	s2 =	stileid.u32  }
0xac: {  	s1 =	rddreg [dreg:$0x1];
	p0 =	sne.s32 s2, $0x0  }
0xad: {  	s3 =	rddreg [dreg:$0x2];
	[bflag:$0x3] =	sbarrier.arrive $0xFFFF;
	s2 =	simm.s32 @!p0 $0x1C09  }
0xae: {  	[timem:s3], [sflag:s2] =	dma.local @!p0 [hbm:s0], s1  }
0xaf: {  	s0 =	simm.s32 @!p0 $0x9  }
0xb0: {  	_ =	swait.ge @!p0 [sflag:s0], s1  }
0xb1: {  	s1 =	ssub.s32 @!p0 $0x0, s1;
	[sflag:s0] =	ssyncset.done @!p0 $0x0  }
0xb2: {  	[sflag:s0] =	ssyncadd.s32 @!p0 s1  }
0xb3: {  	[bflag:$0x3] =	sbarrier.arrive $0xFFFF  }
0xb4: {  	_ =	shalt  }

</sc_bundles>
